<compile_context>
chip_gen: v7x
topology: tpu7x:2x2x1
jax: 0.10.2.dev20260603
libtpu: 0.0.44.dev20260713+nightly
codegen_flags: <defaults>
</compile_context>

<pallas_src>
import functools

import jax
import jax.numpy as jnp
from jax import lax
from jax.experimental import pallas as pl
from jax.experimental.pallas import tpu as pltpu
from jax.experimental.pallas import tpu_sc as plsc

VOCAB = 100000
MODEL_DIM = 128
BATCH = 1024
SEQ = 200

NC, NS = 2, 16
NW = NC * NS
ROWS = BATCH * SEQ
ROWS_PER_W = ROWS // NW
CHUNK = 128
NCHUNK = ROWS_PER_W // CHUNK
NBUF = 5
SKEW = 4


def _pos_table():
    pos = jnp.arange(SEQ, dtype=jnp.float32)[:, None]
    i = jnp.arange(MODEL_DIM)[None, :]
    angle = pos / jnp.power(10000.0, (2 * (i // 2)).astype(jnp.float32) / float(MODEL_DIM))
    sin_v = jnp.sin(angle[:, 0::2])
    cos_v = jnp.cos(angle[:, 1::2])
    pe = jnp.concatenate([sin_v[..., None], cos_v[..., None]], axis=-1)
    return pe.reshape(SEQ, MODEL_DIM)


def _sc_body(idx_hbm, pe_hbm, table_hbm, out_hbm, idx_v, pe_sh,
             ob0, ob1, ob2, ob3, ob4, gs0, gs1, gs2, gs3, gs4,
             ss0, ss1, ss2, ss3, ss4, ps0, ps1, ps2, ps3, ps4):
    sid = lax.axis_index("s")
    wid = sid * NC + lax.axis_index("c")
    pltpu.sync_copy(idx_hbm.at[wid], idx_v)

    @pl.when(sid == 0)
    def _():
        pltpu.sync_copy(pe_hbm, pe_sh)

    plsc.subcore_barrier()

    base = wid * ROWS_PER_W
    obs = (ob0, ob1, ob2, ob3, ob4)
    gsems = (gs0, gs1, gs2, gs3, gs4)
    ssems = (ss0, ss1, ss2, ss3, ss4)
    psems = (ps0, ps1, ps2, ps3, ps4)

    def pe_slice(cc):
        return pe_sh.at[pl.ds((cc * CHUNK) % SEQ, CHUNK)]

    def pe_fill(cc, bb):
        pltpu.async_copy(pe_slice(cc), obs[bb], psems[bb])

    def gather_add(cc, bb):
        pltpu.async_copy(table_hbm.at[idx_v.at[cc]], obs[bb], gsems[bb],
                         add=True)

    def out_slice(cc):
        return out_hbm.at[pl.ds(base + cc * CHUNK, CHUNK)]

    for b in range(SKEW):
        pe_fill(b, b)
    for b in range(SKEW - 1):
        pltpu.make_async_copy(pe_slice(b), obs[b], psems[b]).wait()
        gather_add(b, b)

    def ring_body(i, carry):
        c = i * NBUF
        for b in range(NBUF):
            cc = c + b
            o_v, gs, ss = obs[b], gsems[b], ssems[b]
            pltpu.make_async_copy(table_hbm.at[idx_v.at[cc]], o_v, gs).wait()
            pltpu.async_copy(o_v, out_slice(cc), ss)

            @pl.when(cc + SKEW < NCHUNK)
            def _():
                b3 = (b + SKEW) % NBUF

                @pl.when(cc + SKEW >= NBUF)
                def _():
                    pltpu.make_async_copy(obs[b3], out_slice(cc),
                                          ssems[b3]).wait()

                pe_fill(cc + SKEW, b3)

            @pl.when(cc + SKEW - 1 < NCHUNK)
            def _():
                b2 = (b + SKEW - 1) % NBUF
                pltpu.make_async_copy(pe_slice(cc), obs[b2],
                                      psems[b2]).wait()
                gather_add(cc + SKEW - 1, b2)
        return carry

    lax.fori_loop(0, NCHUNK // NBUF, ring_body, 0)
    for b in range(NBUF):
        pltpu.make_async_copy(obs[b], out_hbm.at[pl.ds(base, CHUNK)],
                              ssems[b]).wait()


@jax.jit
def kernel(inputs, tok_emb_table):
    idx3 = inputs.reshape(NW, NCHUNK, CHUNK).astype(jnp.int32)
    pe1 = _pos_table()
    pe = jnp.concatenate([pe1, pe1], axis=0)
    mesh = plsc.VectorSubcoreMesh(core_axis_name="c", subcore_axis_name="s")
    run = functools.partial(
        pl.kernel,
        mesh=mesh,
        out_type=jax.ShapeDtypeStruct((ROWS, MODEL_DIM), jnp.float32),
        scratch_types=[
            pltpu.VMEM((NCHUNK, CHUNK), jnp.int32),
            pltpu.VMEM_SHARED((2 * SEQ, MODEL_DIM), jnp.float32),
        ] + [pltpu.VMEM((CHUNK, MODEL_DIM), jnp.float32)] * NBUF
          + [pltpu.SemaphoreType.DMA] * (3 * NBUF),
    )(_sc_body)
    out = run(idx3, pe, tok_emb_table)
    return out.reshape(BATCH, SEQ, MODEL_DIM)

# --- scband reference (transcript-rebuilt; emitter-appended) ---
"""Pipeline reference for scband-tok-and-pos-embedding-3770981286134 (READ-ONLY COPY).

The authoritative reference and input builder live on the scoring server;
editing this copy changes nothing except your own understanding.
"""

import jax, jax.numpy as jnp
import numpy as np

VOCAB = 100000
MODEL_DIM = 128
BATCH = 1024
SEQ = 200


def positional_embedding(seq_len, model_dim):
    pos = jnp.arange(seq_len, dtype=jnp.float32)[:, None]
    i = jnp.arange(model_dim)[None, :]
    angle_rads = pos / jnp.power(10000.0, (2 * (i // 2)).astype(jnp.float32) / float(model_dim))
    sin_values = jnp.sin(angle_rads[:, 0::2])
    cos_values = jnp.cos(angle_rads[:, 1::2])
    pe = jnp.concatenate([sin_values[..., None], cos_values[..., None]], axis=-1)
    return pe.reshape(1, seq_len, model_dim)


def setup_inputs(seed: int = 0) -> dict:
    key = jax.random.key(seed)
    k_idx, k_tab = jax.random.split(key)
    inputs = jax.random.randint(k_idx, (BATCH, SEQ), 0, VOCAB, dtype=jnp.int64 if jax.config.jax_enable_x64 else jnp.int32).astype(jnp.int32)
    tok_emb_table = jax.random.normal(k_tab, (VOCAB, MODEL_DIM), dtype=jnp.float32) * 0.02
    return {"inputs": inputs, "tok_emb_table": tok_emb_table}


def reference(inputs, tok_emb_table):
    # token embedding lookup (gather)
    embedded_inp = jnp.take(tok_emb_table, inputs, axis=0)
    seq_len = inputs.shape[1]
    pos_vec = positional_embedding(seq_len, MODEL_DIM)
    return embedded_inp + pos_vec

if __name__ == "__main__":
    import jax
    _d = setup_inputs()
    print(jax.jit(kernel)(*tuple(_d.values())))

</pallas_src>

<mosaic_0001>
#map = affine_map<(d0, d1) -> (0, 0, 0)>
#map1 = affine_map<(d0, d1) -> (0, 0)>
module attributes {stable_mosaic.version = 14 : i64} {
  func.func @_sc_body(%arg0: i32, %arg1: i32, %arg2: memref<32x50x128xi32, #tpu.memory_space<hbm>>, %arg3: memref<400x128xf32, #tpu.memory_space<hbm>>, %arg4: memref<100000x128xf32, #tpu.memory_space<hbm>>, %arg5: memref<204800x128xf32, #tpu.memory_space<hbm>>, %arg6: memref<50x128xi32, #tpu.memory_space<vmem>>, %arg7: memref<400x128xf32, #tpu.memory_space<vmem_shared>>, %arg8: memref<128x128xf32, #tpu.memory_space<vmem>>, %arg9: memref<128x128xf32, #tpu.memory_space<vmem>>, %arg10: memref<128x128xf32, #tpu.memory_space<vmem>>, %arg11: memref<128x128xf32, #tpu.memory_space<vmem>>, %arg12: memref<128x128xf32, #tpu.memory_space<vmem>>, %arg13: memref<!tpu.dma_semaphore, #tpu.memory_space<semaphore_mem>>, %arg14: memref<!tpu.dma_semaphore, #tpu.memory_space<semaphore_mem>>, %arg15: memref<!tpu.dma_semaphore, #tpu.memory_space<semaphore_mem>>, %arg16: memref<!tpu.dma_semaphore, #tpu.memory_space<semaphore_mem>>, %arg17: memref<!tpu.dma_semaphore, #tpu.memory_space<semaphore_mem>>, %arg18: memref<!tpu.dma_semaphore, #tpu.memory_space<semaphore_mem>>, %arg19: memref<!tpu.dma_semaphore, #tpu.memory_space<semaphore_mem>>, %arg20: memref<!tpu.dma_semaphore, #tpu.memory_space<semaphore_mem>>, %arg21: memref<!tpu.dma_semaphore, #tpu.memory_space<semaphore_mem>>, %arg22: memref<!tpu.dma_semaphore, #tpu.memory_space<semaphore_mem>>, %arg23: memref<!tpu.dma_semaphore, #tpu.memory_space<semaphore_mem>>, %arg24: memref<!tpu.dma_semaphore, #tpu.memory_space<semaphore_mem>>, %arg25: memref<!tpu.dma_semaphore, #tpu.memory_space<semaphore_mem>>, %arg26: memref<!tpu.dma_semaphore, #tpu.memory_space<semaphore_mem>>, %arg27: memref<!tpu.dma_semaphore, #tpu.memory_space<semaphore_mem>>) attributes {dimension_semantics = [#tpu.dimension_semantics<core_parallel>, #tpu.dimension_semantics<subcore_parallel>], iteration_bounds = array<i64: 2, 16>, scalar_prefetch = 0 : i64, scratch_operands = 22 : i64, tpu.core_type = #tpu.core_type<sc_vector_subcore>, window_params = [{transform_indices = #map}, {transform_indices = #map1}, {transform_indices = #map1}, {transform_indices = #map1}]} {
    %mul3A = arith.constant 2 : i32
    %mul3A_0 = arith.muli %arg1, %mul3A : i32
    %add3A = arith.addi %mul3A_0, %arg0 : i32
    "tpu.region"() ({
      %run_scoped3A = tpu.sem_alloc : memref<!tpu.dma_semaphore, #tpu.memory_space<semaphore_mem>>
      %dma_start3A_91 = arith.constant 0 : i32
      %dma_start3A_92 = arith.constant 0 : i32
      %dma_start3A_93 = tpu.memref_slice %arg2[%add3A, %dma_start3A_91, %dma_start3A_92] : memref<32x50x128xi32, #tpu.memory_space<hbm>> -> memref<1x50x128xi32, #tpu.memory_space<hbm>>
      %dma_start3A_94 = tpu.memref_squeeze %dma_start3A_93 : memref<1x50x128xi32, #tpu.memory_space<hbm>> -> memref<50x128xi32, #tpu.memory_space<hbm>>
      %dma_start3A_95 = arith.constant 0 : i32
      %dma_start3A_96 = arith.constant 0 : i32
      %dma_start3A_97 = tpu.memref_slice %arg2[%add3A, %dma_start3A_95, %dma_start3A_96] : memref<32x50x128xi32, #tpu.memory_space<hbm>> -> memref<1x50x128xi32, #tpu.memory_space<hbm>>
      %dma_start3A_98 = tpu.memref_squeeze %dma_start3A_97 : memref<1x50x128xi32, #tpu.memory_space<hbm>> -> memref<50x128xi32, #tpu.memory_space<hbm>>
      tpu.enqueue_dma source(%dma_start3A_98 : memref<50x128xi32, #tpu.memory_space<hbm>>) target(%arg6 : memref<50x128xi32, #tpu.memory_space<vmem>>) target_semaphore(%run_scoped3A : memref<!tpu.dma_semaphore, #tpu.memory_space<semaphore_mem>>)
      %dma_wait3A_99 = arith.constant 0 : i32
      %dma_wait3A_100 = arith.constant 0 : i32
      %dma_wait3A_101 = tpu.memref_slice %arg2[%add3A, %dma_wait3A_99, %dma_wait3A_100] : memref<32x50x128xi32, #tpu.memory_space<hbm>> -> memref<1x50x128xi32, #tpu.memory_space<hbm>>
      %dma_wait3A_102 = tpu.memref_squeeze %dma_wait3A_101 : memref<1x50x128xi32, #tpu.memory_space<hbm>> -> memref<50x128xi32, #tpu.memory_space<hbm>>
      %dma_wait3A_103 = arith.constant 0 : i32
      %dma_wait3A_104 = arith.constant 0 : i32
      %dma_wait3A_105 = tpu.memref_slice %arg2[%add3A, %dma_wait3A_103, %dma_wait3A_104] : memref<32x50x128xi32, #tpu.memory_space<hbm>> -> memref<1x50x128xi32, #tpu.memory_space<hbm>>
      %dma_wait3A_106 = tpu.memref_squeeze %dma_wait3A_105 : memref<1x50x128xi32, #tpu.memory_space<hbm>> -> memref<50x128xi32, #tpu.memory_space<hbm>>
      tpu.wait_dma2 semaphore(%run_scoped3A : memref<!tpu.dma_semaphore, #tpu.memory_space<semaphore_mem>>) src(%dma_wait3A_106 : memref<50x128xi32, #tpu.memory_space<hbm>>) dst(%arg6 : memref<50x128xi32, #tpu.memory_space<vmem>>)
      tpu.yield
    }) : () -> ()
    %eq3A = arith.constant 0 : i32
    %eq3A_1 = arith.cmpi eq, %arg1, %eq3A : i32
    %convert_element_type3A = arith.extui %eq3A_1 : i1 to i32
    %cond3A = arith.constant 0 : i32
    %cond3A_2 = arith.cmpi ne, %convert_element_type3A, %cond3A : i32
    scf.if %cond3A_2 {
      "tpu.region"() ({
        %run_scoped3A = tpu.sem_alloc : memref<!tpu.dma_semaphore, #tpu.memory_space<semaphore_mem>>
        tpu.enqueue_dma source(%arg3 : memref<400x128xf32, #tpu.memory_space<hbm>>) target(%arg7 : memref<400x128xf32, #tpu.memory_space<vmem_shared>>) target_semaphore(%run_scoped3A : memref<!tpu.dma_semaphore, #tpu.memory_space<semaphore_mem>>)
        tpu.wait_dma2 semaphore(%run_scoped3A : memref<!tpu.dma_semaphore, #tpu.memory_space<semaphore_mem>>) src(%arg3 : memref<400x128xf32, #tpu.memory_space<hbm>>) dst(%arg7 : memref<400x128xf32, #tpu.memory_space<vmem_shared>>)
        tpu.yield
      }) : () -> ()
    } else {
    }
    %barrier3A = arith.constant 0 : index
    tpu.barrier barrier_id(%barrier3A)
    %mul3A_3 = arith.constant 6400 : i32
    %mul3A_4 = arith.muli %add3A, %mul3A_3 : i32
    %dma_start3A = arith.constant 0 : i32
    %dma_start3A_5 = arith.constant 0 : i32
    %dma_start3A_6 = tpu.memref_slice %arg7[%dma_start3A, %dma_start3A_5] : memref<400x128xf32, #tpu.memory_space<vmem_shared>> -> memref<128x128xf32, #tpu.memory_space<vmem_shared>>
    %dma_start3A_7 = arith.constant 0 : i32
    %dma_start3A_8 = arith.constant 0 : i32
    %dma_start3A_9 = tpu.memref_slice %arg7[%dma_start3A_7, %dma_start3A_8] : memref<400x128xf32, #tpu.memory_space<vmem_shared>> -> memref<128x128xf32, #tpu.memory_space<vmem_shared>>
    tpu.enqueue_dma source(%dma_start3A_9 : memref<128x128xf32, #tpu.memory_space<vmem_shared>>) target(%arg8 : memref<128x128xf32, #tpu.memory_space<vmem>>) target_semaphore(%arg23 : memref<!tpu.dma_semaphore, #tpu.memory_space<semaphore_mem>>)
    %dma_start3A_10 = arith.constant 128 : i32
    %dma_start3A_11 = arith.constant 0 : i32
    %dma_start3A_12 = tpu.memref_slice %arg7[%dma_start3A_10, %dma_start3A_11] : memref<400x128xf32, #tpu.memory_space<vmem_shared>> -> memref<128x128xf32, #tpu.memory_space<vmem_shared>>
    %dma_start3A_13 = arith.constant 128 : i32
    %dma_start3A_14 = arith.constant 0 : i32
    %dma_start3A_15 = tpu.memref_slice %arg7[%dma_start3A_13, %dma_start3A_14] : memref<400x128xf32, #tpu.memory_space<vmem_shared>> -> memref<128x128xf32, #tpu.memory_space<vmem_shared>>
    tpu.enqueue_dma source(%dma_start3A_15 : memref<128x128xf32, #tpu.memory_space<vmem_shared>>) target(%arg9 : memref<128x128xf32, #tpu.memory_space<vmem>>) target_semaphore(%arg24 : memref<!tpu.dma_semaphore, #tpu.memory_space<semaphore_mem>>)
    %dma_start3A_16 = arith.constant 56 : i32
    %dma_start3A_17 = arith.constant 0 : i32
    %dma_start3A_18 = tpu.memref_slice %arg7[%dma_start3A_16, %dma_start3A_17] : memref<400x128xf32, #tpu.memory_space<vmem_shared>> -> memref<128x128xf32, #tpu.memory_space<vmem_shared>>
    %dma_start3A_19 = arith.constant 56 : i32
    %dma_start3A_20 = arith.constant 0 : i32
    %dma_start3A_21 = tpu.memref_slice %arg7[%dma_start3A_19, %dma_start3A_20] : memref<400x128xf32, #tpu.memory_space<vmem_shared>> -> memref<128x128xf32, #tpu.memory_space<vmem_shared>>
    tpu.enqueue_dma source(%dma_start3A_21 : memref<128x128xf32, #tpu.memory_space<vmem_shared>>) target(%arg10 : memref<128x128xf32, #tpu.memory_space<vmem>>) target_semaphore(%arg25 : memref<!tpu.dma_semaphore, #tpu.memory_space<semaphore_mem>>)
    %dma_start3A_22 = arith.constant 184 : i32
    %dma_start3A_23 = arith.constant 0 : i32
    %dma_start3A_24 = tpu.memref_slice %arg7[%dma_start3A_22, %dma_start3A_23] : memref<400x128xf32, #tpu.memory_space<vmem_shared>> -> memref<128x128xf32, #tpu.memory_space<vmem_shared>>
    %dma_start3A_25 = arith.constant 184 : i32
    %dma_start3A_26 = arith.constant 0 : i32
    %dma_start3A_27 = tpu.memref_slice %arg7[%dma_start3A_25, %dma_start3A_26] : memref<400x128xf32, #tpu.memory_space<vmem_shared>> -> memref<128x128xf32, #tpu.memory_space<vmem_shared>>
    tpu.enqueue_dma source(%dma_start3A_27 : memref<128x128xf32, #tpu.memory_space<vmem_shared>>) target(%arg11 : memref<128x128xf32, #tpu.memory_space<vmem>>) target_semaphore(%arg26 : memref<!tpu.dma_semaphore, #tpu.memory_space<semaphore_mem>>)
    %dma_wait3A = arith.constant 0 : i32
    %dma_wait3A_28 = arith.constant 0 : i32
    %dma_wait3A_29 = tpu.memref_slice %arg7[%dma_wait3A, %dma_wait3A_28] : memref<400x128xf32, #tpu.memory_space<vmem_shared>> -> memref<128x128xf32, #tpu.memory_space<vmem_shared>>
    %dma_wait3A_30 = arith.constant 0 : i32
    %dma_wait3A_31 = arith.constant 0 : i32
    %dma_wait3A_32 = tpu.memref_slice %arg7[%dma_wait3A_30, %dma_wait3A_31] : memref<400x128xf32, #tpu.memory_space<vmem_shared>> -> memref<128x128xf32, #tpu.memory_space<vmem_shared>>
    tpu.wait_dma2 semaphore(%arg23 : memref<!tpu.dma_semaphore, #tpu.memory_space<semaphore_mem>>) src(%dma_wait3A_32 : memref<128x128xf32, #tpu.memory_space<vmem_shared>>) dst(%arg8 : memref<128x128xf32, #tpu.memory_space<vmem>>)
    %dma_start3A_33 = arith.constant 0 : i32
    %dma_start3A_34 = arith.constant 0 : i32
    %dma_start3A_35 = tpu.memref_slice %arg6[%dma_start3A_33, %dma_start3A_34] : memref<50x128xi32, #tpu.memory_space<vmem>> -> memref<1x128xi32, #tpu.memory_space<vmem>>
    %dma_start3A_36 = tpu.memref_squeeze %dma_start3A_35 : memref<1x128xi32, #tpu.memory_space<vmem>> -> memref<128xi32, #tpu.memory_space<vmem>>
    %dma_start3A_37 = arith.constant 0 : i32
    %dma_start3A_38 = arith.constant 0 : i32
    %dma_start3A_39 = tpu.memref_slice %arg4[%dma_start3A_37, %dma_start3A_38] : memref<100000x128xf32, #tpu.memory_space<hbm>> -> memref<100000x128xf32, #tpu.memory_space<hbm>>
    tpu.enqueue_indirect_dma source(%dma_start3A_39 : memref<100000x128xf32, #tpu.memory_space<hbm>>) target(%arg8 : memref<128x128xf32, #tpu.memory_space<vmem>>) offsets(%dma_start3A_36 : memref<128xi32, #tpu.memory_space<vmem>>) semaphore(%arg13 : memref<!tpu.dma_semaphore, #tpu.memory_space<semaphore_mem>>) {add = true}
    %dma_wait3A_40 = arith.constant 128 : i32
    %dma_wait3A_41 = arith.constant 0 : i32
    %dma_wait3A_42 = tpu.memref_slice %arg7[%dma_wait3A_40, %dma_wait3A_41] : memref<400x128xf32, #tpu.memory_space<vmem_shared>> -> memref<128x128xf32, #tpu.memory_space<vmem_shared>>
    %dma_wait3A_43 = arith.constant 128 : i32
    %dma_wait3A_44 = arith.constant 0 : i32
    %dma_wait3A_45 = tpu.memref_slice %arg7[%dma_wait3A_43, %dma_wait3A_44] : memref<400x128xf32, #tpu.memory_space<vmem_shared>> -> memref<128x128xf32, #tpu.memory_space<vmem_shared>>
    tpu.wait_dma2 semaphore(%arg24 : memref<!tpu.dma_semaphore, #tpu.memory_space<semaphore_mem>>) src(%dma_wait3A_45 : memref<128x128xf32, #tpu.memory_space<vmem_shared>>) dst(%arg9 : memref<128x128xf32, #tpu.memory_space<vmem>>)
    %dma_start3A_46 = arith.constant 1 : i32
    %dma_start3A_47 = arith.constant 0 : i32
    %dma_start3A_48 = tpu.memref_slice %arg6[%dma_start3A_46, %dma_start3A_47] : memref<50x128xi32, #tpu.memory_space<vmem>> -> memref<1x128xi32, #tpu.memory_space<vmem>>
    %dma_start3A_49 = tpu.memref_squeeze %dma_start3A_48 : memref<1x128xi32, #tpu.memory_space<vmem>> -> memref<128xi32, #tpu.memory_space<vmem>>
    %dma_start3A_50 = arith.constant 0 : i32
    %dma_start3A_51 = arith.constant 0 : i32
    %dma_start3A_52 = tpu.memref_slice %arg4[%dma_start3A_50, %dma_start3A_51] : memref<100000x128xf32, #tpu.memory_space<hbm>> -> memref<100000x128xf32, #tpu.memory_space<hbm>>
    tpu.enqueue_indirect_dma source(%dma_start3A_52 : memref<100000x128xf32, #tpu.memory_space<hbm>>) target(%arg9 : memref<128x128xf32, #tpu.memory_space<vmem>>) offsets(%dma_start3A_49 : memref<128xi32, #tpu.memory_space<vmem>>) semaphore(%arg14 : memref<!tpu.dma_semaphore, #tpu.memory_space<semaphore_mem>>) {add = true}
    %dma_wait3A_53 = arith.constant 56 : i32
    %dma_wait3A_54 = arith.constant 0 : i32
    %dma_wait3A_55 = tpu.memref_slice %arg7[%dma_wait3A_53, %dma_wait3A_54] : memref<400x128xf32, #tpu.memory_space<vmem_shared>> -> memref<128x128xf32, #tpu.memory_space<vmem_shared>>
    %dma_wait3A_56 = arith.constant 56 : i32
    %dma_wait3A_57 = arith.constant 0 : i32
    %dma_wait3A_58 = tpu.memref_slice %arg7[%dma_wait3A_56, %dma_wait3A_57] : memref<400x128xf32, #tpu.memory_space<vmem_shared>> -> memref<128x128xf32, #tpu.memory_space<vmem_shared>>
    tpu.wait_dma2 semaphore(%arg25 : memref<!tpu.dma_semaphore, #tpu.memory_space<semaphore_mem>>) src(%dma_wait3A_58 : memref<128x128xf32, #tpu.memory_space<vmem_shared>>) dst(%arg10 : memref<128x128xf32, #tpu.memory_space<vmem>>)
    %dma_start3A_59 = arith.constant 2 : i32
    %dma_start3A_60 = arith.constant 0 : i32
    %dma_start3A_61 = tpu.memref_slice %arg6[%dma_start3A_59, %dma_start3A_60] : memref<50x128xi32, #tpu.memory_space<vmem>> -> memref<1x128xi32, #tpu.memory_space<vmem>>
    %dma_start3A_62 = tpu.memref_squeeze %dma_start3A_61 : memref<1x128xi32, #tpu.memory_space<vmem>> -> memref<128xi32, #tpu.memory_space<vmem>>
    %dma_start3A_63 = arith.constant 0 : i32
    %dma_start3A_64 = arith.constant 0 : i32
    %dma_start3A_65 = tpu.memref_slice %arg4[%dma_start3A_63, %dma_start3A_64] : memref<100000x128xf32, #tpu.memory_space<hbm>> -> memref<100000x128xf32, #tpu.memory_space<hbm>>
    tpu.enqueue_indirect_dma source(%dma_start3A_65 : memref<100000x128xf32, #tpu.memory_space<hbm>>) target(%arg10 : memref<128x128xf32, #tpu.memory_space<vmem>>) offsets(%dma_start3A_62 : memref<128xi32, #tpu.memory_space<vmem>>) semaphore(%arg15 : memref<!tpu.dma_semaphore, #tpu.memory_space<semaphore_mem>>) {add = true}
    %scan3A = arith.constant 0 : i32
    %scan3A_66 = arith.constant 0 : i32
    %scan3A_67 = arith.constant 10 : i32
    %scan3A_68 = arith.addi %scan3A_66, %scan3A_67 : i32
    %scan3A_69 = arith.constant 1 : i32
    scf.for %scan3A_91 = %scan3A_66 to %scan3A_68 step %scan3A_69  : i32 {
      %mul3A_92 = arith.constant 5 : i32
      %mul3A_93 = arith.muli %scan3A_91, %mul3A_92 : i32
      %add3A_94 = arith.constant 0 : i32
      %add3A_95 = arith.addi %mul3A_93, %add3A_94 : i32
      %dma_wait3A_96 = arith.constant 0 : i32
      %dma_wait3A_97 = tpu.memref_slice %arg6[%add3A_95, %dma_wait3A_96] : memref<50x128xi32, #tpu.memory_space<vmem>> -> memref<1x128xi32, #tpu.memory_space<vmem>>
      %dma_wait3A_98 = tpu.memref_squeeze %dma_wait3A_97 : memref<1x128xi32, #tpu.memory_space<vmem>> -> memref<128xi32, #tpu.memory_space<vmem>>
      %dma_wait3A_99 = arith.constant 0 : i32
      %dma_wait3A_100 = arith.constant 0 : i32
      %dma_wait3A_101 = tpu.memref_slice %arg4[%dma_wait3A_99, %dma_wait3A_100] : memref<100000x128xf32, #tpu.memory_space<hbm>> -> memref<100000x128xf32, #tpu.memory_space<hbm>>
      tpu.wait_indirect_dma semaphore(%arg13 : memref<!tpu.dma_semaphore, #tpu.memory_space<semaphore_mem>>) src(%dma_wait3A_101 : memref<100000x128xf32, #tpu.memory_space<hbm>>) dst(%arg8 : memref<128x128xf32, #tpu.memory_space<vmem>>)
      %mul3A_102 = arith.constant 128 : i32
      %mul3A_103 = arith.muli %add3A_95, %mul3A_102 : i32
      %add3A_104 = arith.addi %mul3A_4, %mul3A_103 : i32
      %dma_start3A_105 = arith.constant 0 : i32
      %dma_start3A_106 = tpu.memref_slice %arg5[%add3A_104, %dma_start3A_105] : memref<204800x128xf32, #tpu.memory_space<hbm>> -> memref<128x128xf32, #tpu.memory_space<hbm>>
      %dma_start3A_107 = arith.constant 0 : i32
      %dma_start3A_108 = tpu.memref_slice %arg5[%add3A_104, %dma_start3A_107] : memref<204800x128xf32, #tpu.memory_space<hbm>> -> memref<128x128xf32, #tpu.memory_space<hbm>>
      tpu.enqueue_dma source(%arg8 : memref<128x128xf32, #tpu.memory_space<vmem>>) target(%dma_start3A_108 : memref<128x128xf32, #tpu.memory_space<hbm>>) target_semaphore(%arg18 : memref<!tpu.dma_semaphore, #tpu.memory_space<semaphore_mem>>)
      %add3A_109 = arith.constant 4 : i32
      %add3A_110 = arith.addi %add3A_95, %add3A_109 : i32
      %lt3A = arith.constant 50 : i32
      %lt3A_111 = arith.cmpi slt, %add3A_110, %lt3A : i32
      %convert_element_type3A_112 = arith.extui %lt3A_111 : i1 to i32
      %cond3A_113 = arith.constant 0 : i32
      %cond3A_114 = arith.cmpi ne, %convert_element_type3A_112, %cond3A_113 : i32
      scf.if %cond3A_114 {
        %add3A_247 = arith.constant 4 : i32
        %add3A_248 = arith.addi %add3A_95, %add3A_247 : i32
        %ge3A = arith.constant 5 : i32
        %ge3A_249 = arith.cmpi sge, %add3A_248, %ge3A : i32
        %convert_element_type3A_250 = arith.extui %ge3A_249 : i1 to i32
        %cond3A_251 = arith.constant 0 : i32
        %cond3A_252 = arith.cmpi ne, %convert_element_type3A_250, %cond3A_251 : i32
        scf.if %cond3A_252 {
          %mul3A_272 = arith.constant 128 : i32
          %mul3A_273 = arith.muli %add3A_95, %mul3A_272 : i32
          %add3A_274 = arith.addi %mul3A_4, %mul3A_273 : i32
          %dma_wait3A_275 = arith.constant 0 : i32
          %dma_wait3A_276 = tpu.memref_slice %arg5[%add3A_274, %dma_wait3A_275] : memref<204800x128xf32, #tpu.memory_space<hbm>> -> memref<128x128xf32, #tpu.memory_space<hbm>>
          %dma_wait3A_277 = arith.constant 0 : i32
          %dma_wait3A_278 = tpu.memref_slice %arg5[%add3A_274, %dma_wait3A_277] : memref<204800x128xf32, #tpu.memory_space<hbm>> -> memref<128x128xf32, #tpu.memory_space<hbm>>
          tpu.wait_dma2 semaphore(%arg22 : memref<!tpu.dma_semaphore, #tpu.memory_space<semaphore_mem>>) src(%arg12 : memref<128x128xf32, #tpu.memory_space<vmem>>) dst(%dma_wait3A_278 : memref<128x128xf32, #tpu.memory_space<hbm>>)
        } else {
        }
        %add3A_253 = arith.constant 4 : i32
        %add3A_254 = arith.addi %add3A_95, %add3A_253 : i32
        %mul3A_255 = arith.constant 128 : i32
        %mul3A_256 = arith.muli %add3A_254, %mul3A_255 : i32
        %jit3A = arith.constant 200 : i32
        %eq3A_257 = arith.constant 0 : i32
        %eq3A_258 = arith.cmpi eq, %jit3A, %eq3A_257 : i32
        %jit3A_259 = arith.constant 1 : i32
        %select_n3A = arith.select %eq3A_258, %jit3A_259, %jit3A : i32
        %rem3A = arith.remsi %mul3A_256, %select_n3A : i32
        %ne3A = arith.constant 0 : i32
        %ne3A_260 = arith.cmpi ne, %rem3A, %ne3A : i32
        %lt3A_261 = arith.constant 0 : i32
        %lt3A_262 = arith.cmpi slt, %rem3A, %lt3A_261 : i32
        %lt3A_263 = arith.constant 0 : i32
        %lt3A_264 = arith.cmpi slt, %select_n3A, %lt3A_263 : i32
        %ne3A_265 = arith.xori %lt3A_262, %lt3A_264 : i1
        %and3A = arith.andi %ne3A_265, %ne3A_260 : i1
        %add3A_266 = arith.addi %rem3A, %select_n3A : i32
        %select_n3A_267 = arith.select %and3A, %add3A_266, %rem3A : i32
        %dma_start3A_268 = arith.constant 0 : i32
        %dma_start3A_269 = tpu.memref_slice %arg7[%select_n3A_267, %dma_start3A_268] : memref<400x128xf32, #tpu.memory_space<vmem_shared>> -> memref<128x128xf32, #tpu.memory_space<vmem_shared>>
        %dma_start3A_270 = arith.constant 0 : i32
        %dma_start3A_271 = tpu.memref_slice %arg7[%select_n3A_267, %dma_start3A_270] : memref<400x128xf32, #tpu.memory_space<vmem_shared>> -> memref<128x128xf32, #tpu.memory_space<vmem_shared>>
        tpu.enqueue_dma source(%dma_start3A_271 : memref<128x128xf32, #tpu.memory_space<vmem_shared>>) target(%arg12 : memref<128x128xf32, #tpu.memory_space<vmem>>) target_semaphore(%arg27 : memref<!tpu.dma_semaphore, #tpu.memory_space<semaphore_mem>>)
      } else {
      }
      %add3A_115 = arith.constant 4 : i32
      %add3A_116 = arith.addi %add3A_95, %add3A_115 : i32
      %sub3A = arith.constant 1 : i32
      %sub3A_117 = arith.subi %add3A_116, %sub3A : i32
      %lt3A_118 = arith.constant 50 : i32
      %lt3A_119 = arith.cmpi slt, %sub3A_117, %lt3A_118 : i32
      %convert_element_type3A_120 = arith.extui %lt3A_119 : i1 to i32
      %cond3A_121 = arith.constant 0 : i32
      %cond3A_122 = arith.cmpi ne, %convert_element_type3A_120, %cond3A_121 : i32
      scf.if %cond3A_122 {
        %mul3A_247 = arith.constant 128 : i32
        %mul3A_248 = arith.muli %add3A_95, %mul3A_247 : i32
        %jit3A = arith.constant 200 : i32
        %eq3A_249 = arith.constant 0 : i32
        %eq3A_250 = arith.cmpi eq, %jit3A, %eq3A_249 : i32
        %jit3A_251 = arith.constant 1 : i32
        %select_n3A = arith.select %eq3A_250, %jit3A_251, %jit3A : i32
        %rem3A = arith.remsi %mul3A_248, %select_n3A : i32
        %ne3A = arith.constant 0 : i32
        %ne3A_252 = arith.cmpi ne, %rem3A, %ne3A : i32
        %lt3A_253 = arith.constant 0 : i32
        %lt3A_254 = arith.cmpi slt, %rem3A, %lt3A_253 : i32
        %lt3A_255 = arith.constant 0 : i32
        %lt3A_256 = arith.cmpi slt, %select_n3A, %lt3A_255 : i32
        %ne3A_257 = arith.xori %lt3A_254, %lt3A_256 : i1
        %and3A = arith.andi %ne3A_257, %ne3A_252 : i1
        %add3A_258 = arith.addi %rem3A, %select_n3A : i32
        %select_n3A_259 = arith.select %and3A, %add3A_258, %rem3A : i32
        %dma_wait3A_260 = arith.constant 0 : i32
        %dma_wait3A_261 = tpu.memref_slice %arg7[%select_n3A_259, %dma_wait3A_260] : memref<400x128xf32, #tpu.memory_space<vmem_shared>> -> memref<128x128xf32, #tpu.memory_space<vmem_shared>>
        %dma_wait3A_262 = arith.constant 0 : i32
        %dma_wait3A_263 = tpu.memref_slice %arg7[%select_n3A_259, %dma_wait3A_262] : memref<400x128xf32, #tpu.memory_space<vmem_shared>> -> memref<128x128xf32, #tpu.memory_space<vmem_shared>>
        tpu.wait_dma2 semaphore(%arg26 : memref<!tpu.dma_semaphore, #tpu.memory_space<semaphore_mem>>) src(%dma_wait3A_263 : memref<128x128xf32, #tpu.memory_space<vmem_shared>>) dst(%arg11 : memref<128x128xf32, #tpu.memory_space<vmem>>)
        %add3A_264 = arith.constant 4 : i32
        %add3A_265 = arith.addi %add3A_95, %add3A_264 : i32
        %sub3A_266 = arith.constant 1 : i32
        %sub3A_267 = arith.subi %add3A_265, %sub3A_266 : i32
        %dma_start3A_268 = arith.constant 0 : i32
        %dma_start3A_269 = tpu.memref_slice %arg6[%sub3A_267, %dma_start3A_268] : memref<50x128xi32, #tpu.memory_space<vmem>> -> memref<1x128xi32, #tpu.memory_space<vmem>>
        %dma_start3A_270 = tpu.memref_squeeze %dma_start3A_269 : memref<1x128xi32, #tpu.memory_space<vmem>> -> memref<128xi32, #tpu.memory_space<vmem>>
        %dma_start3A_271 = arith.constant 0 : i32
        %dma_start3A_272 = arith.constant 0 : i32
        %dma_start3A_273 = tpu.memref_slice %arg4[%dma_start3A_271, %dma_start3A_272] : memref<100000x128xf32, #tpu.memory_space<hbm>> -> memref<100000x128xf32, #tpu.memory_space<hbm>>
        tpu.enqueue_indirect_dma source(%dma_start3A_273 : memref<100000x128xf32, #tpu.memory_space<hbm>>) target(%arg11 : memref<128x128xf32, #tpu.memory_space<vmem>>) offsets(%dma_start3A_270 : memref<128xi32, #tpu.memory_space<vmem>>) semaphore(%arg16 : memref<!tpu.dma_semaphore, #tpu.memory_space<semaphore_mem>>) {add = true}
      } else {
      }
      %add3A_123 = arith.constant 1 : i32
      %add3A_124 = arith.addi %mul3A_93, %add3A_123 : i32
      %dma_wait3A_125 = arith.constant 0 : i32
      %dma_wait3A_126 = tpu.memref_slice %arg6[%add3A_124, %dma_wait3A_125] : memref<50x128xi32, #tpu.memory_space<vmem>> -> memref<1x128xi32, #tpu.memory_space<vmem>>
      %dma_wait3A_127 = tpu.memref_squeeze %dma_wait3A_126 : memref<1x128xi32, #tpu.memory_space<vmem>> -> memref<128xi32, #tpu.memory_space<vmem>>
      %dma_wait3A_128 = arith.constant 0 : i32
      %dma_wait3A_129 = arith.constant 0 : i32
      %dma_wait3A_130 = tpu.memref_slice %arg4[%dma_wait3A_128, %dma_wait3A_129] : memref<100000x128xf32, #tpu.memory_space<hbm>> -> memref<100000x128xf32, #tpu.memory_space<hbm>>
      tpu.wait_indirect_dma semaphore(%arg14 : memref<!tpu.dma_semaphore, #tpu.memory_space<semaphore_mem>>) src(%dma_wait3A_130 : memref<100000x128xf32, #tpu.memory_space<hbm>>) dst(%arg9 : memref<128x128xf32, #tpu.memory_space<vmem>>)
      %mul3A_131 = arith.constant 128 : i32
      %mul3A_132 = arith.muli %add3A_124, %mul3A_131 : i32
      %add3A_133 = arith.addi %mul3A_4, %mul3A_132 : i32
      %dma_start3A_134 = arith.constant 0 : i32
      %dma_start3A_135 = tpu.memref_slice %arg5[%add3A_133, %dma_start3A_134] : memref<204800x128xf32, #tpu.memory_space<hbm>> -> memref<128x128xf32, #tpu.memory_space<hbm>>
      %dma_start3A_136 = arith.constant 0 : i32
      %dma_start3A_137 = tpu.memref_slice %arg5[%add3A_133, %dma_start3A_136] : memref<204800x128xf32, #tpu.memory_space<hbm>> -> memref<128x128xf32, #tpu.memory_space<hbm>>
      tpu.enqueue_dma source(%arg9 : memref<128x128xf32, #tpu.memory_space<vmem>>) target(%dma_start3A_137 : memref<128x128xf32, #tpu.memory_space<hbm>>) target_semaphore(%arg19 : memref<!tpu.dma_semaphore, #tpu.memory_space<semaphore_mem>>)
      %add3A_138 = arith.constant 4 : i32
      %add3A_139 = arith.addi %add3A_124, %add3A_138 : i32
      %lt3A_140 = arith.constant 50 : i32
      %lt3A_141 = arith.cmpi slt, %add3A_139, %lt3A_140 : i32
      %convert_element_type3A_142 = arith.extui %lt3A_141 : i1 to i32
      %cond3A_143 = arith.constant 0 : i32
      %cond3A_144 = arith.cmpi ne, %convert_element_type3A_142, %cond3A_143 : i32
      scf.if %cond3A_144 {
        %add3A_247 = arith.constant 4 : i32
        %add3A_248 = arith.addi %add3A_124, %add3A_247 : i32
        %ge3A = arith.constant 5 : i32
        %ge3A_249 = arith.cmpi sge, %add3A_248, %ge3A : i32
        %convert_element_type3A_250 = arith.extui %ge3A_249 : i1 to i32
        %cond3A_251 = arith.constant 0 : i32
        %cond3A_252 = arith.cmpi ne, %convert_element_type3A_250, %cond3A_251 : i32
        scf.if %cond3A_252 {
          %mul3A_272 = arith.constant 128 : i32
          %mul3A_273 = arith.muli %add3A_124, %mul3A_272 : i32
          %add3A_274 = arith.addi %mul3A_4, %mul3A_273 : i32
          %dma_wait3A_275 = arith.constant 0 : i32
          %dma_wait3A_276 = tpu.memref_slice %arg5[%add3A_274, %dma_wait3A_275] : memref<204800x128xf32, #tpu.memory_space<hbm>> -> memref<128x128xf32, #tpu.memory_space<hbm>>
          %dma_wait3A_277 = arith.constant 0 : i32
          %dma_wait3A_278 = tpu.memref_slice %arg5[%add3A_274, %dma_wait3A_277] : memref<204800x128xf32, #tpu.memory_space<hbm>> -> memref<128x128xf32, #tpu.memory_space<hbm>>
          tpu.wait_dma2 semaphore(%arg18 : memref<!tpu.dma_semaphore, #tpu.memory_space<semaphore_mem>>) src(%arg8 : memref<128x128xf32, #tpu.memory_space<vmem>>) dst(%dma_wait3A_278 : memref<128x128xf32, #tpu.memory_space<hbm>>)
        } else {
        }
        %add3A_253 = arith.constant 4 : i32
        %add3A_254 = arith.addi %add3A_124, %add3A_253 : i32
        %mul3A_255 = arith.constant 128 : i32
        %mul3A_256 = arith.muli %add3A_254, %mul3A_255 : i32
        %jit3A = arith.constant 200 : i32
        %eq3A_257 = arith.constant 0 : i32
        %eq3A_258 = arith.cmpi eq, %jit3A, %eq3A_257 : i32
        %jit3A_259 = arith.constant 1 : i32
        %select_n3A = arith.select %eq3A_258, %jit3A_259, %jit3A : i32
        %rem3A = arith.remsi %mul3A_256, %select_n3A : i32
        %ne3A = arith.constant 0 : i32
        %ne3A_260 = arith.cmpi ne, %rem3A, %ne3A : i32
        %lt3A_261 = arith.constant 0 : i32
        %lt3A_262 = arith.cmpi slt, %rem3A, %lt3A_261 : i32
        %lt3A_263 = arith.constant 0 : i32
        %lt3A_264 = arith.cmpi slt, %select_n3A, %lt3A_263 : i32
        %ne3A_265 = arith.xori %lt3A_262, %lt3A_264 : i1
        %and3A = arith.andi %ne3A_265, %ne3A_260 : i1
        %add3A_266 = arith.addi %rem3A, %select_n3A : i32
        %select_n3A_267 = arith.select %and3A, %add3A_266, %rem3A : i32
        %dma_start3A_268 = arith.constant 0 : i32
        %dma_start3A_269 = tpu.memref_slice %arg7[%select_n3A_267, %dma_start3A_268] : memref<400x128xf32, #tpu.memory_space<vmem_shared>> -> memref<128x128xf32, #tpu.memory_space<vmem_shared>>
        %dma_start3A_270 = arith.constant 0 : i32
        %dma_start3A_271 = tpu.memref_slice %arg7[%select_n3A_267, %dma_start3A_270] : memref<400x128xf32, #tpu.memory_space<vmem_shared>> -> memref<128x128xf32, #tpu.memory_space<vmem_shared>>
        tpu.enqueue_dma source(%dma_start3A_271 : memref<128x128xf32, #tpu.memory_space<vmem_shared>>) target(%arg8 : memref<128x128xf32, #tpu.memory_space<vmem>>) target_semaphore(%arg23 : memref<!tpu.dma_semaphore, #tpu.memory_space<semaphore_mem>>)
      } else {
      }
      %add3A_145 = arith.constant 4 : i32
      %add3A_146 = arith.addi %add3A_124, %add3A_145 : i32
      %sub3A_147 = arith.constant 1 : i32
      %sub3A_148 = arith.subi %add3A_146, %sub3A_147 : i32
      %lt3A_149 = arith.constant 50 : i32
      %lt3A_150 = arith.cmpi slt, %sub3A_148, %lt3A_149 : i32
      %convert_element_type3A_151 = arith.extui %lt3A_150 : i1 to i32
      %cond3A_152 = arith.constant 0 : i32
      %cond3A_153 = arith.cmpi ne, %convert_element_type3A_151, %cond3A_152 : i32
      scf.if %cond3A_153 {
        %mul3A_247 = arith.constant 128 : i32
        %mul3A_248 = arith.muli %add3A_124, %mul3A_247 : i32
        %jit3A = arith.constant 200 : i32
        %eq3A_249 = arith.constant 0 : i32
        %eq3A_250 = arith.cmpi eq, %jit3A, %eq3A_249 : i32
        %jit3A_251 = arith.constant 1 : i32
        %select_n3A = arith.select %eq3A_250, %jit3A_251, %jit3A : i32
        %rem3A = arith.remsi %mul3A_248, %select_n3A : i32
        %ne3A = arith.constant 0 : i32
        %ne3A_252 = arith.cmpi ne, %rem3A, %ne3A : i32
        %lt3A_253 = arith.constant 0 : i32
        %lt3A_254 = arith.cmpi slt, %rem3A, %lt3A_253 : i32
        %lt3A_255 = arith.constant 0 : i32
        %lt3A_256 = arith.cmpi slt, %select_n3A, %lt3A_255 : i32
        %ne3A_257 = arith.xori %lt3A_254, %lt3A_256 : i1
        %and3A = arith.andi %ne3A_257, %ne3A_252 : i1
        %add3A_258 = arith.addi %rem3A, %select_n3A : i32
        %select_n3A_259 = arith.select %and3A, %add3A_258, %rem3A : i32
        %dma_wait3A_260 = arith.constant 0 : i32
        %dma_wait3A_261 = tpu.memref_slice %arg7[%select_n3A_259, %dma_wait3A_260] : memref<400x128xf32, #tpu.memory_space<vmem_shared>> -> memref<128x128xf32, #tpu.memory_space<vmem_shared>>
        %dma_wait3A_262 = arith.constant 0 : i32
        %dma_wait3A_263 = tpu.memref_slice %arg7[%select_n3A_259, %dma_wait3A_262] : memref<400x128xf32, #tpu.memory_space<vmem_shared>> -> memref<128x128xf32, #tpu.memory_space<vmem_shared>>
        tpu.wait_dma2 semaphore(%arg27 : memref<!tpu.dma_semaphore, #tpu.memory_space<semaphore_mem>>) src(%dma_wait3A_263 : memref<128x128xf32, #tpu.memory_space<vmem_shared>>) dst(%arg12 : memref<128x128xf32, #tpu.memory_space<vmem>>)
        %add3A_264 = arith.constant 4 : i32
        %add3A_265 = arith.addi %add3A_124, %add3A_264 : i32
        %sub3A_266 = arith.constant 1 : i32
        %sub3A_267 = arith.subi %add3A_265, %sub3A_266 : i32
        %dma_start3A_268 = arith.constant 0 : i32
        %dma_start3A_269 = tpu.memref_slice %arg6[%sub3A_267, %dma_start3A_268] : memref<50x128xi32, #tpu.memory_space<vmem>> -> memref<1x128xi32, #tpu.memory_space<vmem>>
        %dma_start3A_270 = tpu.memref_squeeze %dma_start3A_269 : memref<1x128xi32, #tpu.memory_space<vmem>> -> memref<128xi32, #tpu.memory_space<vmem>>
        %dma_start3A_271 = arith.constant 0 : i32
        %dma_start3A_272 = arith.constant 0 : i32
        %dma_start3A_273 = tpu.memref_slice %arg4[%dma_start3A_271, %dma_start3A_272] : memref<100000x128xf32, #tpu.memory_space<hbm>> -> memref<100000x128xf32, #tpu.memory_space<hbm>>
        tpu.enqueue_indirect_dma source(%dma_start3A_273 : memref<100000x128xf32, #tpu.memory_space<hbm>>) target(%arg12 : memref<128x128xf32, #tpu.memory_space<vmem>>) offsets(%dma_start3A_270 : memref<128xi32, #tpu.memory_space<vmem>>) semaphore(%arg17 : memref<!tpu.dma_semaphore, #tpu.memory_space<semaphore_mem>>) {add = true}
      } else {
      }
      %add3A_154 = arith.constant 2 : i32
      %add3A_155 = arith.addi %mul3A_93, %add3A_154 : i32
      %dma_wait3A_156 = arith.constant 0 : i32
      %dma_wait3A_157 = tpu.memref_slice %arg6[%add3A_155, %dma_wait3A_156] : memref<50x128xi32, #tpu.memory_space<vmem>> -> memref<1x128xi32, #tpu.memory_space<vmem>>
      %dma_wait3A_158 = tpu.memref_squeeze %dma_wait3A_157 : memref<1x128xi32, #tpu.memory_space<vmem>> -> memref<128xi32, #tpu.memory_space<vmem>>
      %dma_wait3A_159 = arith.constant 0 : i32
      %dma_wait3A_160 = arith.constant 0 : i32
      %dma_wait3A_161 = tpu.memref_slice %arg4[%dma_wait3A_159, %dma_wait3A_160] : memref<100000x128xf32, #tpu.memory_space<hbm>> -> memref<100000x128xf32, #tpu.memory_space<hbm>>
      tpu.wait_indirect_dma semaphore(%arg15 : memref<!tpu.dma_semaphore, #tpu.memory_space<semaphore_mem>>) src(%dma_wait3A_161 : memref<100000x128xf32, #tpu.memory_space<hbm>>) dst(%arg10 : memref<128x128xf32, #tpu.memory_space<vmem>>)
      %mul3A_162 = arith.constant 128 : i32
      %mul3A_163 = arith.muli %add3A_155, %mul3A_162 : i32
      %add3A_164 = arith.addi %mul3A_4, %mul3A_163 : i32
      %dma_start3A_165 = arith.constant 0 : i32
      %dma_start3A_166 = tpu.memref_slice %arg5[%add3A_164, %dma_start3A_165] : memref<204800x128xf32, #tpu.memory_space<hbm>> -> memref<128x128xf32, #tpu.memory_space<hbm>>
      %dma_start3A_167 = arith.constant 0 : i32
      %dma_start3A_168 = tpu.memref_slice %arg5[%add3A_164, %dma_start3A_167] : memref<204800x128xf32, #tpu.memory_space<hbm>> -> memref<128x128xf32, #tpu.memory_space<hbm>>
      tpu.enqueue_dma source(%arg10 : memref<128x128xf32, #tpu.memory_space<vmem>>) target(%dma_start3A_168 : memref<128x128xf32, #tpu.memory_space<hbm>>) target_semaphore(%arg20 : memref<!tpu.dma_semaphore, #tpu.memory_space<semaphore_mem>>)
      %add3A_169 = arith.constant 4 : i32
      %add3A_170 = arith.addi %add3A_155, %add3A_169 : i32
      %lt3A_171 = arith.constant 50 : i32
      %lt3A_172 = arith.cmpi slt, %add3A_170, %lt3A_171 : i32
      %convert_element_type3A_173 = arith.extui %lt3A_172 : i1 to i32
      %cond3A_174 = arith.constant 0 : i32
      %cond3A_175 = arith.cmpi ne, %convert_element_type3A_173, %cond3A_174 : i32
      scf.if %cond3A_175 {
        %add3A_247 = arith.constant 4 : i32
        %add3A_248 = arith.addi %add3A_155, %add3A_247 : i32
        %ge3A = arith.constant 5 : i32
        %ge3A_249 = arith.cmpi sge, %add3A_248, %ge3A : i32
        %convert_element_type3A_250 = arith.extui %ge3A_249 : i1 to i32
        %cond3A_251 = arith.constant 0 : i32
        %cond3A_252 = arith.cmpi ne, %convert_element_type3A_250, %cond3A_251 : i32
        scf.if %cond3A_252 {
          %mul3A_272 = arith.constant 128 : i32
          %mul3A_273 = arith.muli %add3A_155, %mul3A_272 : i32
          %add3A_274 = arith.addi %mul3A_4, %mul3A_273 : i32
          %dma_wait3A_275 = arith.constant 0 : i32
          %dma_wait3A_276 = tpu.memref_slice %arg5[%add3A_274, %dma_wait3A_275] : memref<204800x128xf32, #tpu.memory_space<hbm>> -> memref<128x128xf32, #tpu.memory_space<hbm>>
          %dma_wait3A_277 = arith.constant 0 : i32
          %dma_wait3A_278 = tpu.memref_slice %arg5[%add3A_274, %dma_wait3A_277] : memref<204800x128xf32, #tpu.memory_space<hbm>> -> memref<128x128xf32, #tpu.memory_space<hbm>>
          tpu.wait_dma2 semaphore(%arg19 : memref<!tpu.dma_semaphore, #tpu.memory_space<semaphore_mem>>) src(%arg9 : memref<128x128xf32, #tpu.memory_space<vmem>>) dst(%dma_wait3A_278 : memref<128x128xf32, #tpu.memory_space<hbm>>)
        } else {
        }
        %add3A_253 = arith.constant 4 : i32
        %add3A_254 = arith.addi %add3A_155, %add3A_253 : i32
        %mul3A_255 = arith.constant 128 : i32
        %mul3A_256 = arith.muli %add3A_254, %mul3A_255 : i32
        %jit3A = arith.constant 200 : i32
        %eq3A_257 = arith.constant 0 : i32
        %eq3A_258 = arith.cmpi eq, %jit3A, %eq3A_257 : i32
        %jit3A_259 = arith.constant 1 : i32
        %select_n3A = arith.select %eq3A_258, %jit3A_259, %jit3A : i32
        %rem3A = arith.remsi %mul3A_256, %select_n3A : i32
        %ne3A = arith.constant 0 : i32
        %ne3A_260 = arith.cmpi ne, %rem3A, %ne3A : i32
        %lt3A_261 = arith.constant 0 : i32
        %lt3A_262 = arith.cmpi slt, %rem3A, %lt3A_261 : i32
        %lt3A_263 = arith.constant 0 : i32
        %lt3A_264 = arith.cmpi slt, %select_n3A, %lt3A_263 : i32
        %ne3A_265 = arith.xori %lt3A_262, %lt3A_264 : i1
        %and3A = arith.andi %ne3A_265, %ne3A_260 : i1
        %add3A_266 = arith.addi %rem3A, %select_n3A : i32
        %select_n3A_267 = arith.select %and3A, %add3A_266, %rem3A : i32
        %dma_start3A_268 = arith.constant 0 : i32
        %dma_start3A_269 = tpu.memref_slice %arg7[%select_n3A_267, %dma_start3A_268] : memref<400x128xf32, #tpu.memory_space<vmem_shared>> -> memref<128x128xf32, #tpu.memory_space<vmem_shared>>
        %dma_start3A_270 = arith.constant 0 : i32
        %dma_start3A_271 = tpu.memref_slice %arg7[%select_n3A_267, %dma_start3A_270] : memref<400x128xf32, #tpu.memory_space<vmem_shared>> -> memref<128x128xf32, #tpu.memory_space<vmem_shared>>
        tpu.enqueue_dma source(%dma_start3A_271 : memref<128x128xf32, #tpu.memory_space<vmem_shared>>) target(%arg9 : memref<128x128xf32, #tpu.memory_space<vmem>>) target_semaphore(%arg24 : memref<!tpu.dma_semaphore, #tpu.memory_space<semaphore_mem>>)
      } else {
      }
      %add3A_176 = arith.constant 4 : i32
      %add3A_177 = arith.addi %add3A_155, %add3A_176 : i32
      %sub3A_178 = arith.constant 1 : i32
      %sub3A_179 = arith.subi %add3A_177, %sub3A_178 : i32
      %lt3A_180 = arith.constant 50 : i32
      %lt3A_181 = arith.cmpi slt, %sub3A_179, %lt3A_180 : i32
      %convert_element_type3A_182 = arith.extui %lt3A_181 : i1 to i32
      %cond3A_183 = arith.constant 0 : i32
      %cond3A_184 = arith.cmpi ne, %convert_element_type3A_182, %cond3A_183 : i32
      scf.if %cond3A_184 {
        %mul3A_247 = arith.constant 128 : i32
        %mul3A_248 = arith.muli %add3A_155, %mul3A_247 : i32
        %jit3A = arith.constant 200 : i32
        %eq3A_249 = arith.constant 0 : i32
        %eq3A_250 = arith.cmpi eq, %jit3A, %eq3A_249 : i32
        %jit3A_251 = arith.constant 1 : i32
        %select_n3A = arith.select %eq3A_250, %jit3A_251, %jit3A : i32
        %rem3A = arith.remsi %mul3A_248, %select_n3A : i32
        %ne3A = arith.constant 0 : i32
        %ne3A_252 = arith.cmpi ne, %rem3A, %ne3A : i32
        %lt3A_253 = arith.constant 0 : i32
        %lt3A_254 = arith.cmpi slt, %rem3A, %lt3A_253 : i32
        %lt3A_255 = arith.constant 0 : i32
        %lt3A_256 = arith.cmpi slt, %select_n3A, %lt3A_255 : i32
        %ne3A_257 = arith.xori %lt3A_254, %lt3A_256 : i1
        %and3A = arith.andi %ne3A_257, %ne3A_252 : i1
        %add3A_258 = arith.addi %rem3A, %select_n3A : i32
        %select_n3A_259 = arith.select %and3A, %add3A_258, %rem3A : i32
        %dma_wait3A_260 = arith.constant 0 : i32
        %dma_wait3A_261 = tpu.memref_slice %arg7[%select_n3A_259, %dma_wait3A_260] : memref<400x128xf32, #tpu.memory_space<vmem_shared>> -> memref<128x128xf32, #tpu.memory_space<vmem_shared>>
        %dma_wait3A_262 = arith.constant 0 : i32
        %dma_wait3A_263 = tpu.memref_slice %arg7[%select_n3A_259, %dma_wait3A_262] : memref<400x128xf32, #tpu.memory_space<vmem_shared>> -> memref<128x128xf32, #tpu.memory_space<vmem_shared>>
        tpu.wait_dma2 semaphore(%arg23 : memref<!tpu.dma_semaphore, #tpu.memory_space<semaphore_mem>>) src(%dma_wait3A_263 : memref<128x128xf32, #tpu.memory_space<vmem_shared>>) dst(%arg8 : memref<128x128xf32, #tpu.memory_space<vmem>>)
        %add3A_264 = arith.constant 4 : i32
        %add3A_265 = arith.addi %add3A_155, %add3A_264 : i32
        %sub3A_266 = arith.constant 1 : i32
        %sub3A_267 = arith.subi %add3A_265, %sub3A_266 : i32
        %dma_start3A_268 = arith.constant 0 : i32
        %dma_start3A_269 = tpu.memref_slice %arg6[%sub3A_267, %dma_start3A_268] : memref<50x128xi32, #tpu.memory_space<vmem>> -> memref<1x128xi32, #tpu.memory_space<vmem>>
        %dma_start3A_270 = tpu.memref_squeeze %dma_start3A_269 : memref<1x128xi32, #tpu.memory_space<vmem>> -> memref<128xi32, #tpu.memory_space<vmem>>
        %dma_start3A_271 = arith.constant 0 : i32
        %dma_start3A_272 = arith.constant 0 : i32
        %dma_start3A_273 = tpu.memref_slice %arg4[%dma_start3A_271, %dma_start3A_272] : memref<100000x128xf32, #tpu.memory_space<hbm>> -> memref<100000x128xf32, #tpu.memory_space<hbm>>
        tpu.enqueue_indirect_dma source(%dma_start3A_273 : memref<100000x128xf32, #tpu.memory_space<hbm>>) target(%arg8 : memref<128x128xf32, #tpu.memory_space<vmem>>) offsets(%dma_start3A_270 : memref<128xi32, #tpu.memory_space<vmem>>) semaphore(%arg13 : memref<!tpu.dma_semaphore, #tpu.memory_space<semaphore_mem>>) {add = true}
      } else {
      }
      %add3A_185 = arith.constant 3 : i32
      %add3A_186 = arith.addi %mul3A_93, %add3A_185 : i32
      %dma_wait3A_187 = arith.constant 0 : i32
      %dma_wait3A_188 = tpu.memref_slice %arg6[%add3A_186, %dma_wait3A_187] : memref<50x128xi32, #tpu.memory_space<vmem>> -> memref<1x128xi32, #tpu.memory_space<vmem>>
      %dma_wait3A_189 = tpu.memref_squeeze %dma_wait3A_188 : memref<1x128xi32, #tpu.memory_space<vmem>> -> memref<128xi32, #tpu.memory_space<vmem>>
      %dma_wait3A_190 = arith.constant 0 : i32
      %dma_wait3A_191 = arith.constant 0 : i32
      %dma_wait3A_192 = tpu.memref_slice %arg4[%dma_wait3A_190, %dma_wait3A_191] : memref<100000x128xf32, #tpu.memory_space<hbm>> -> memref<100000x128xf32, #tpu.memory_space<hbm>>
      tpu.wait_indirect_dma semaphore(%arg16 : memref<!tpu.dma_semaphore, #tpu.memory_space<semaphore_mem>>) src(%dma_wait3A_192 : memref<100000x128xf32, #tpu.memory_space<hbm>>) dst(%arg11 : memref<128x128xf32, #tpu.memory_space<vmem>>)
      %mul3A_193 = arith.constant 128 : i32
      %mul3A_194 = arith.muli %add3A_186, %mul3A_193 : i32
      %add3A_195 = arith.addi %mul3A_4, %mul3A_194 : i32
      %dma_start3A_196 = arith.constant 0 : i32
      %dma_start3A_197 = tpu.memref_slice %arg5[%add3A_195, %dma_start3A_196] : memref<204800x128xf32, #tpu.memory_space<hbm>> -> memref<128x128xf32, #tpu.memory_space<hbm>>
      %dma_start3A_198 = arith.constant 0 : i32
      %dma_start3A_199 = tpu.memref_slice %arg5[%add3A_195, %dma_start3A_198] : memref<204800x128xf32, #tpu.memory_space<hbm>> -> memref<128x128xf32, #tpu.memory_space<hbm>>
      tpu.enqueue_dma source(%arg11 : memref<128x128xf32, #tpu.memory_space<vmem>>) target(%dma_start3A_199 : memref<128x128xf32, #tpu.memory_space<hbm>>) target_semaphore(%arg21 : memref<!tpu.dma_semaphore, #tpu.memory_space<semaphore_mem>>)
      %add3A_200 = arith.constant 4 : i32
      %add3A_201 = arith.addi %add3A_186, %add3A_200 : i32
      %lt3A_202 = arith.constant 50 : i32
      %lt3A_203 = arith.cmpi slt, %add3A_201, %lt3A_202 : i32
      %convert_element_type3A_204 = arith.extui %lt3A_203 : i1 to i32
      %cond3A_205 = arith.constant 0 : i32
      %cond3A_206 = arith.cmpi ne, %convert_element_type3A_204, %cond3A_205 : i32
      scf.if %cond3A_206 {
        %add3A_247 = arith.constant 4 : i32
        %add3A_248 = arith.addi %add3A_186, %add3A_247 : i32
        %ge3A = arith.constant 5 : i32
        %ge3A_249 = arith.cmpi sge, %add3A_248, %ge3A : i32
        %convert_element_type3A_250 = arith.extui %ge3A_249 : i1 to i32
        %cond3A_251 = arith.constant 0 : i32
        %cond3A_252 = arith.cmpi ne, %convert_element_type3A_250, %cond3A_251 : i32
        scf.if %cond3A_252 {
          %mul3A_272 = arith.constant 128 : i32
          %mul3A_273 = arith.muli %add3A_186, %mul3A_272 : i32
          %add3A_274 = arith.addi %mul3A_4, %mul3A_273 : i32
          %dma_wait3A_275 = arith.constant 0 : i32
          %dma_wait3A_276 = tpu.memref_slice %arg5[%add3A_274, %dma_wait3A_275] : memref<204800x128xf32, #tpu.memory_space<hbm>> -> memref<128x128xf32, #tpu.memory_space<hbm>>
          %dma_wait3A_277 = arith.constant 0 : i32
          %dma_wait3A_278 = tpu.memref_slice %arg5[%add3A_274, %dma_wait3A_277] : memref<204800x128xf32, #tpu.memory_space<hbm>> -> memref<128x128xf32, #tpu.memory_space<hbm>>
          tpu.wait_dma2 semaphore(%arg20 : memref<!tpu.dma_semaphore, #tpu.memory_space<semaphore_mem>>) src(%arg10 : memref<128x128xf32, #tpu.memory_space<vmem>>) dst(%dma_wait3A_278 : memref<128x128xf32, #tpu.memory_space<hbm>>)
        } else {
        }
        %add3A_253 = arith.constant 4 : i32
        %add3A_254 = arith.addi %add3A_186, %add3A_253 : i32
        %mul3A_255 = arith.constant 128 : i32
        %mul3A_256 = arith.muli %add3A_254, %mul3A_255 : i32
        %jit3A = arith.constant 200 : i32
        %eq3A_257 = arith.constant 0 : i32
        %eq3A_258 = arith.cmpi eq, %jit3A, %eq3A_257 : i32
        %jit3A_259 = arith.constant 1 : i32
        %select_n3A = arith.select %eq3A_258, %jit3A_259, %jit3A : i32
        %rem3A = arith.remsi %mul3A_256, %select_n3A : i32
        %ne3A = arith.constant 0 : i32
        %ne3A_260 = arith.cmpi ne, %rem3A, %ne3A : i32
        %lt3A_261 = arith.constant 0 : i32
        %lt3A_262 = arith.cmpi slt, %rem3A, %lt3A_261 : i32
        %lt3A_263 = arith.constant 0 : i32
        %lt3A_264 = arith.cmpi slt, %select_n3A, %lt3A_263 : i32
        %ne3A_265 = arith.xori %lt3A_262, %lt3A_264 : i1
        %and3A = arith.andi %ne3A_265, %ne3A_260 : i1
        %add3A_266 = arith.addi %rem3A, %select_n3A : i32
        %select_n3A_267 = arith.select %and3A, %add3A_266, %rem3A : i32
        %dma_start3A_268 = arith.constant 0 : i32
        %dma_start3A_269 = tpu.memref_slice %arg7[%select_n3A_267, %dma_start3A_268] : memref<400x128xf32, #tpu.memory_space<vmem_shared>> -> memref<128x128xf32, #tpu.memory_space<vmem_shared>>
        %dma_start3A_270 = arith.constant 0 : i32
        %dma_start3A_271 = tpu.memref_slice %arg7[%select_n3A_267, %dma_start3A_270] : memref<400x128xf32, #tpu.memory_space<vmem_shared>> -> memref<128x128xf32, #tpu.memory_space<vmem_shared>>
        tpu.enqueue_dma source(%dma_start3A_271 : memref<128x128xf32, #tpu.memory_space<vmem_shared>>) target(%arg10 : memref<128x128xf32, #tpu.memory_space<vmem>>) target_semaphore(%arg25 : memref<!tpu.dma_semaphore, #tpu.memory_space<semaphore_mem>>)
      } else {
      }
      %add3A_207 = arith.constant 4 : i32
      %add3A_208 = arith.addi %add3A_186, %add3A_207 : i32
      %sub3A_209 = arith.constant 1 : i32
      %sub3A_210 = arith.subi %add3A_208, %sub3A_209 : i32
      %lt3A_211 = arith.constant 50 : i32
      %lt3A_212 = arith.cmpi slt, %sub3A_210, %lt3A_211 : i32
      %convert_element_type3A_213 = arith.extui %lt3A_212 : i1 to i32
      %cond3A_214 = arith.constant 0 : i32
      %cond3A_215 = arith.cmpi ne, %convert_element_type3A_213, %cond3A_214 : i32
      scf.if %cond3A_215 {
        %mul3A_247 = arith.constant 128 : i32
        %mul3A_248 = arith.muli %add3A_186, %mul3A_247 : i32
        %jit3A = arith.constant 200 : i32
        %eq3A_249 = arith.constant 0 : i32
        %eq3A_250 = arith.cmpi eq, %jit3A, %eq3A_249 : i32
        %jit3A_251 = arith.constant 1 : i32
        %select_n3A = arith.select %eq3A_250, %jit3A_251, %jit3A : i32
        %rem3A = arith.remsi %mul3A_248, %select_n3A : i32
        %ne3A = arith.constant 0 : i32
        %ne3A_252 = arith.cmpi ne, %rem3A, %ne3A : i32
        %lt3A_253 = arith.constant 0 : i32
        %lt3A_254 = arith.cmpi slt, %rem3A, %lt3A_253 : i32
        %lt3A_255 = arith.constant 0 : i32
        %lt3A_256 = arith.cmpi slt, %select_n3A, %lt3A_255 : i32
        %ne3A_257 = arith.xori %lt3A_254, %lt3A_256 : i1
        %and3A = arith.andi %ne3A_257, %ne3A_252 : i1
        %add3A_258 = arith.addi %rem3A, %select_n3A : i32
        %select_n3A_259 = arith.select %and3A, %add3A_258, %rem3A : i32
        %dma_wait3A_260 = arith.constant 0 : i32
        %dma_wait3A_261 = tpu.memref_slice %arg7[%select_n3A_259, %dma_wait3A_260] : memref<400x128xf32, #tpu.memory_space<vmem_shared>> -> memref<128x128xf32, #tpu.memory_space<vmem_shared>>
        %dma_wait3A_262 = arith.constant 0 : i32
        %dma_wait3A_263 = tpu.memref_slice %arg7[%select_n3A_259, %dma_wait3A_262] : memref<400x128xf32, #tpu.memory_space<vmem_shared>> -> memref<128x128xf32, #tpu.memory_space<vmem_shared>>
        tpu.wait_dma2 semaphore(%arg24 : memref<!tpu.dma_semaphore, #tpu.memory_space<semaphore_mem>>) src(%dma_wait3A_263 : memref<128x128xf32, #tpu.memory_space<vmem_shared>>) dst(%arg9 : memref<128x128xf32, #tpu.memory_space<vmem>>)
        %add3A_264 = arith.constant 4 : i32
        %add3A_265 = arith.addi %add3A_186, %add3A_264 : i32
        %sub3A_266 = arith.constant 1 : i32
        %sub3A_267 = arith.subi %add3A_265, %sub3A_266 : i32
        %dma_start3A_268 = arith.constant 0 : i32
        %dma_start3A_269 = tpu.memref_slice %arg6[%sub3A_267, %dma_start3A_268] : memref<50x128xi32, #tpu.memory_space<vmem>> -> memref<1x128xi32, #tpu.memory_space<vmem>>
        %dma_start3A_270 = tpu.memref_squeeze %dma_start3A_269 : memref<1x128xi32, #tpu.memory_space<vmem>> -> memref<128xi32, #tpu.memory_space<vmem>>
        %dma_start3A_271 = arith.constant 0 : i32
        %dma_start3A_272 = arith.constant 0 : i32
        %dma_start3A_273 = tpu.memref_slice %arg4[%dma_start3A_271, %dma_start3A_272] : memref<100000x128xf32, #tpu.memory_space<hbm>> -> memref<100000x128xf32, #tpu.memory_space<hbm>>
        tpu.enqueue_indirect_dma source(%dma_start3A_273 : memref<100000x128xf32, #tpu.memory_space<hbm>>) target(%arg9 : memref<128x128xf32, #tpu.memory_space<vmem>>) offsets(%dma_start3A_270 : memref<128xi32, #tpu.memory_space<vmem>>) semaphore(%arg14 : memref<!tpu.dma_semaphore, #tpu.memory_space<semaphore_mem>>) {add = true}
      } else {
      }
      %add3A_216 = arith.constant 4 : i32
      %add3A_217 = arith.addi %mul3A_93, %add3A_216 : i32
      %dma_wait3A_218 = arith.constant 0 : i32
      %dma_wait3A_219 = tpu.memref_slice %arg6[%add3A_217, %dma_wait3A_218] : memref<50x128xi32, #tpu.memory_space<vmem>> -> memref<1x128xi32, #tpu.memory_space<vmem>>
      %dma_wait3A_220 = tpu.memref_squeeze %dma_wait3A_219 : memref<1x128xi32, #tpu.memory_space<vmem>> -> memref<128xi32, #tpu.memory_space<vmem>>
      %dma_wait3A_221 = arith.constant 0 : i32
      %dma_wait3A_222 = arith.constant 0 : i32
      %dma_wait3A_223 = tpu.memref_slice %arg4[%dma_wait3A_221, %dma_wait3A_222] : memref<100000x128xf32, #tpu.memory_space<hbm>> -> memref<100000x128xf32, #tpu.memory_space<hbm>>
      tpu.wait_indirect_dma semaphore(%arg17 : memref<!tpu.dma_semaphore, #tpu.memory_space<semaphore_mem>>) src(%dma_wait3A_223 : memref<100000x128xf32, #tpu.memory_space<hbm>>) dst(%arg12 : memref<128x128xf32, #tpu.memory_space<vmem>>)
      %mul3A_224 = arith.constant 128 : i32
      %mul3A_225 = arith.muli %add3A_217, %mul3A_224 : i32
      %add3A_226 = arith.addi %mul3A_4, %mul3A_225 : i32
      %dma_start3A_227 = arith.constant 0 : i32
      %dma_start3A_228 = tpu.memref_slice %arg5[%add3A_226, %dma_start3A_227] : memref<204800x128xf32, #tpu.memory_space<hbm>> -> memref<128x128xf32, #tpu.memory_space<hbm>>
      %dma_start3A_229 = arith.constant 0 : i32
      %dma_start3A_230 = tpu.memref_slice %arg5[%add3A_226, %dma_start3A_229] : memref<204800x128xf32, #tpu.memory_space<hbm>> -> memref<128x128xf32, #tpu.memory_space<hbm>>
      tpu.enqueue_dma source(%arg12 : memref<128x128xf32, #tpu.memory_space<vmem>>) target(%dma_start3A_230 : memref<128x128xf32, #tpu.memory_space<hbm>>) target_semaphore(%arg22 : memref<!tpu.dma_semaphore, #tpu.memory_space<semaphore_mem>>)
      %add3A_231 = arith.constant 4 : i32
      %add3A_232 = arith.addi %add3A_217, %add3A_231 : i32
      %lt3A_233 = arith.constant 50 : i32
      %lt3A_234 = arith.cmpi slt, %add3A_232, %lt3A_233 : i32
      %convert_element_type3A_235 = arith.extui %lt3A_234 : i1 to i32
      %cond3A_236 = arith.constant 0 : i32
      %cond3A_237 = arith.cmpi ne, %convert_element_type3A_235, %cond3A_236 : i32
      scf.if %cond3A_237 {
        %add3A_247 = arith.constant 4 : i32
        %add3A_248 = arith.addi %add3A_217, %add3A_247 : i32
        %ge3A = arith.constant 5 : i32
        %ge3A_249 = arith.cmpi sge, %add3A_248, %ge3A : i32
        %convert_element_type3A_250 = arith.extui %ge3A_249 : i1 to i32
        %cond3A_251 = arith.constant 0 : i32
        %cond3A_252 = arith.cmpi ne, %convert_element_type3A_250, %cond3A_251 : i32
        scf.if %cond3A_252 {
          %mul3A_272 = arith.constant 128 : i32
          %mul3A_273 = arith.muli %add3A_217, %mul3A_272 : i32
          %add3A_274 = arith.addi %mul3A_4, %mul3A_273 : i32
          %dma_wait3A_275 = arith.constant 0 : i32
          %dma_wait3A_276 = tpu.memref_slice %arg5[%add3A_274, %dma_wait3A_275] : memref<204800x128xf32, #tpu.memory_space<hbm>> -> memref<128x128xf32, #tpu.memory_space<hbm>>
          %dma_wait3A_277 = arith.constant 0 : i32
          %dma_wait3A_278 = tpu.memref_slice %arg5[%add3A_274, %dma_wait3A_277] : memref<204800x128xf32, #tpu.memory_space<hbm>> -> memref<128x128xf32, #tpu.memory_space<hbm>>
          tpu.wait_dma2 semaphore(%arg21 : memref<!tpu.dma_semaphore, #tpu.memory_space<semaphore_mem>>) src(%arg11 : memref<128x128xf32, #tpu.memory_space<vmem>>) dst(%dma_wait3A_278 : memref<128x128xf32, #tpu.memory_space<hbm>>)
        } else {
        }
        %add3A_253 = arith.constant 4 : i32
        %add3A_254 = arith.addi %add3A_217, %add3A_253 : i32
        %mul3A_255 = arith.constant 128 : i32
        %mul3A_256 = arith.muli %add3A_254, %mul3A_255 : i32
        %jit3A = arith.constant 200 : i32
        %eq3A_257 = arith.constant 0 : i32
        %eq3A_258 = arith.cmpi eq, %jit3A, %eq3A_257 : i32
        %jit3A_259 = arith.constant 1 : i32
        %select_n3A = arith.select %eq3A_258, %jit3A_259, %jit3A : i32
        %rem3A = arith.remsi %mul3A_256, %select_n3A : i32
        %ne3A = arith.constant 0 : i32
        %ne3A_260 = arith.cmpi ne, %rem3A, %ne3A : i32
        %lt3A_261 = arith.constant 0 : i32
        %lt3A_262 = arith.cmpi slt, %rem3A, %lt3A_261 : i32
        %lt3A_263 = arith.constant 0 : i32
        %lt3A_264 = arith.cmpi slt, %select_n3A, %lt3A_263 : i32
        %ne3A_265 = arith.xori %lt3A_262, %lt3A_264 : i1
        %and3A = arith.andi %ne3A_265, %ne3A_260 : i1
        %add3A_266 = arith.addi %rem3A, %select_n3A : i32
        %select_n3A_267 = arith.select %and3A, %add3A_266, %rem3A : i32
        %dma_start3A_268 = arith.constant 0 : i32
        %dma_start3A_269 = tpu.memref_slice %arg7[%select_n3A_267, %dma_start3A_268] : memref<400x128xf32, #tpu.memory_space<vmem_shared>> -> memref<128x128xf32, #tpu.memory_space<vmem_shared>>
        %dma_start3A_270 = arith.constant 0 : i32
        %dma_start3A_271 = tpu.memref_slice %arg7[%select_n3A_267, %dma_start3A_270] : memref<400x128xf32, #tpu.memory_space<vmem_shared>> -> memref<128x128xf32, #tpu.memory_space<vmem_shared>>
        tpu.enqueue_dma source(%dma_start3A_271 : memref<128x128xf32, #tpu.memory_space<vmem_shared>>) target(%arg11 : memref<128x128xf32, #tpu.memory_space<vmem>>) target_semaphore(%arg26 : memref<!tpu.dma_semaphore, #tpu.memory_space<semaphore_mem>>)
      } else {
      }
      %add3A_238 = arith.constant 4 : i32
      %add3A_239 = arith.addi %add3A_217, %add3A_238 : i32
      %sub3A_240 = arith.constant 1 : i32
      %sub3A_241 = arith.subi %add3A_239, %sub3A_240 : i32
      %lt3A_242 = arith.constant 50 : i32
      %lt3A_243 = arith.cmpi slt, %sub3A_241, %lt3A_242 : i32
      %convert_element_type3A_244 = arith.extui %lt3A_243 : i1 to i32
      %cond3A_245 = arith.constant 0 : i32
      %cond3A_246 = arith.cmpi ne, %convert_element_type3A_244, %cond3A_245 : i32
      scf.if %cond3A_246 {
        %mul3A_247 = arith.constant 128 : i32
        %mul3A_248 = arith.muli %add3A_217, %mul3A_247 : i32
        %jit3A = arith.constant 200 : i32
        %eq3A_249 = arith.constant 0 : i32
        %eq3A_250 = arith.cmpi eq, %jit3A, %eq3A_249 : i32
        %jit3A_251 = arith.constant 1 : i32
        %select_n3A = arith.select %eq3A_250, %jit3A_251, %jit3A : i32
        %rem3A = arith.remsi %mul3A_248, %select_n3A : i32
        %ne3A = arith.constant 0 : i32
        %ne3A_252 = arith.cmpi ne, %rem3A, %ne3A : i32
        %lt3A_253 = arith.constant 0 : i32
        %lt3A_254 = arith.cmpi slt, %rem3A, %lt3A_253 : i32
        %lt3A_255 = arith.constant 0 : i32
        %lt3A_256 = arith.cmpi slt, %select_n3A, %lt3A_255 : i32
        %ne3A_257 = arith.xori %lt3A_254, %lt3A_256 : i1
        %and3A = arith.andi %ne3A_257, %ne3A_252 : i1
        %add3A_258 = arith.addi %rem3A, %select_n3A : i32
        %select_n3A_259 = arith.select %and3A, %add3A_258, %rem3A : i32
        %dma_wait3A_260 = arith.constant 0 : i32
        %dma_wait3A_261 = tpu.memref_slice %arg7[%select_n3A_259, %dma_wait3A_260] : memref<400x128xf32, #tpu.memory_space<vmem_shared>> -> memref<128x128xf32, #tpu.memory_space<vmem_shared>>
        %dma_wait3A_262 = arith.constant 0 : i32
        %dma_wait3A_263 = tpu.memref_slice %arg7[%select_n3A_259, %dma_wait3A_262] : memref<400x128xf32, #tpu.memory_space<vmem_shared>> -> memref<128x128xf32, #tpu.memory_space<vmem_shared>>
        tpu.wait_dma2 semaphore(%arg25 : memref<!tpu.dma_semaphore, #tpu.memory_space<semaphore_mem>>) src(%dma_wait3A_263 : memref<128x128xf32, #tpu.memory_space<vmem_shared>>) dst(%arg10 : memref<128x128xf32, #tpu.memory_space<vmem>>)
        %add3A_264 = arith.constant 4 : i32
        %add3A_265 = arith.addi %add3A_217, %add3A_264 : i32
        %sub3A_266 = arith.constant 1 : i32
        %sub3A_267 = arith.subi %add3A_265, %sub3A_266 : i32
        %dma_start3A_268 = arith.constant 0 : i32
        %dma_start3A_269 = tpu.memref_slice %arg6[%sub3A_267, %dma_start3A_268] : memref<50x128xi32, #tpu.memory_space<vmem>> -> memref<1x128xi32, #tpu.memory_space<vmem>>
        %dma_start3A_270 = tpu.memref_squeeze %dma_start3A_269 : memref<1x128xi32, #tpu.memory_space<vmem>> -> memref<128xi32, #tpu.memory_space<vmem>>
        %dma_start3A_271 = arith.constant 0 : i32
        %dma_start3A_272 = arith.constant 0 : i32
        %dma_start3A_273 = tpu.memref_slice %arg4[%dma_start3A_271, %dma_start3A_272] : memref<100000x128xf32, #tpu.memory_space<hbm>> -> memref<100000x128xf32, #tpu.memory_space<hbm>>
        tpu.enqueue_indirect_dma source(%dma_start3A_273 : memref<100000x128xf32, #tpu.memory_space<hbm>>) target(%arg10 : memref<128x128xf32, #tpu.memory_space<vmem>>) offsets(%dma_start3A_270 : memref<128xi32, #tpu.memory_space<vmem>>) semaphore(%arg15 : memref<!tpu.dma_semaphore, #tpu.memory_space<semaphore_mem>>) {add = true}
      } else {
      }
    }
    %scan3A_70 = arith.constant 10 : i32
    %dma_wait3A_71 = arith.constant 0 : i32
    %dma_wait3A_72 = tpu.memref_slice %arg5[%mul3A_4, %dma_wait3A_71] : memref<204800x128xf32, #tpu.memory_space<hbm>> -> memref<128x128xf32, #tpu.memory_space<hbm>>
    %dma_wait3A_73 = arith.constant 0 : i32
    %dma_wait3A_74 = tpu.memref_slice %arg5[%mul3A_4, %dma_wait3A_73] : memref<204800x128xf32, #tpu.memory_space<hbm>> -> memref<128x128xf32, #tpu.memory_space<hbm>>
    tpu.wait_dma2 semaphore(%arg18 : memref<!tpu.dma_semaphore, #tpu.memory_space<semaphore_mem>>) src(%arg8 : memref<128x128xf32, #tpu.memory_space<vmem>>) dst(%dma_wait3A_74 : memref<128x128xf32, #tpu.memory_space<hbm>>)
    %dma_wait3A_75 = arith.constant 0 : i32
    %dma_wait3A_76 = tpu.memref_slice %arg5[%mul3A_4, %dma_wait3A_75] : memref<204800x128xf32, #tpu.memory_space<hbm>> -> memref<128x128xf32, #tpu.memory_space<hbm>>
    %dma_wait3A_77 = arith.constant 0 : i32
    %dma_wait3A_78 = tpu.memref_slice %arg5[%mul3A_4, %dma_wait3A_77] : memref<204800x128xf32, #tpu.memory_space<hbm>> -> memref<128x128xf32, #tpu.memory_space<hbm>>
    tpu.wait_dma2 semaphore(%arg19 : memref<!tpu.dma_semaphore, #tpu.memory_space<semaphore_mem>>) src(%arg9 : memref<128x128xf32, #tpu.memory_space<vmem>>) dst(%dma_wait3A_78 : memref<128x128xf32, #tpu.memory_space<hbm>>)
    %dma_wait3A_79 = arith.constant 0 : i32
    %dma_wait3A_80 = tpu.memref_slice %arg5[%mul3A_4, %dma_wait3A_79] : memref<204800x128xf32, #tpu.memory_space<hbm>> -> memref<128x128xf32, #tpu.memory_space<hbm>>
    %dma_wait3A_81 = arith.constant 0 : i32
    %dma_wait3A_82 = tpu.memref_slice %arg5[%mul3A_4, %dma_wait3A_81] : memref<204800x128xf32, #tpu.memory_space<hbm>> -> memref<128x128xf32, #tpu.memory_space<hbm>>
    tpu.wait_dma2 semaphore(%arg20 : memref<!tpu.dma_semaphore, #tpu.memory_space<semaphore_mem>>) src(%arg10 : memref<128x128xf32, #tpu.memory_space<vmem>>) dst(%dma_wait3A_82 : memref<128x128xf32, #tpu.memory_space<hbm>>)
    %dma_wait3A_83 = arith.constant 0 : i32
    %dma_wait3A_84 = tpu.memref_slice %arg5[%mul3A_4, %dma_wait3A_83] : memref<204800x128xf32, #tpu.memory_space<hbm>> -> memref<128x128xf32, #tpu.memory_space<hbm>>
    %dma_wait3A_85 = arith.constant 0 : i32
    %dma_wait3A_86 = tpu.memref_slice %arg5[%mul3A_4, %dma_wait3A_85] : memref<204800x128xf32, #tpu.memory_space<hbm>> -> memref<128x128xf32, #tpu.memory_space<hbm>>
    tpu.wait_dma2 semaphore(%arg21 : memref<!tpu.dma_semaphore, #tpu.memory_space<semaphore_mem>>) src(%arg11 : memref<128x128xf32, #tpu.memory_space<vmem>>) dst(%dma_wait3A_86 : memref<128x128xf32, #tpu.memory_space<hbm>>)
    %dma_wait3A_87 = arith.constant 0 : i32
    %dma_wait3A_88 = tpu.memref_slice %arg5[%mul3A_4, %dma_wait3A_87] : memref<204800x128xf32, #tpu.memory_space<hbm>> -> memref<128x128xf32, #tpu.memory_space<hbm>>
    %dma_wait3A_89 = arith.constant 0 : i32
    %dma_wait3A_90 = tpu.memref_slice %arg5[%mul3A_4, %dma_wait3A_89] : memref<204800x128xf32, #tpu.memory_space<hbm>> -> memref<128x128xf32, #tpu.memory_space<hbm>>
    tpu.wait_dma2 semaphore(%arg22 : memref<!tpu.dma_semaphore, #tpu.memory_space<semaphore_mem>>) src(%arg12 : memref<128x128xf32, #tpu.memory_space<vmem>>) dst(%dma_wait3A_90 : memref<128x128xf32, #tpu.memory_space<hbm>>)
    return
  }
}

</mosaic_0001>

<sc_bundles>
// kernel: kernel.3.cloned.1.call-start
scs
__scs_entry_jumppad:
0x0: {  	(pc) =	sbr.rel $0x88, $3  }
0x1: {  	(tag) =	ssettag $0x0;
	lr =	simm.s32 $0x1  }
0x2: {  	[smem:$0x3F9F] =	sst lr;
	_ =	strace $0xD0000000  }
0x3: {  	_ = 	snop  }
0x4: {  	_ = 	snop  }
0x5: {  	_ = 	snop  }
0x6: {  	_ = 	snop  }
0x7: {  	_ = 	snop  }
__scs_overlays_trampoline_lowered:
0x8: {  	[smem:$0x3FAE] =	sst s0  }
0x9: {  	[smem:$0x3FAF] =	sst s1  }
0xa: {  	[smem:$0x3FB0] =	sst s2  }
0xb: {  	[smem:$0x3FB1] =	sst s3  }
0xc: {  	[smem:$0x3FB2] =	sst s4  }
0xd: {  	[smem:$0x3FB3] =	sst s5  }
0xe: {  	[smem:$0x3FB4] =	sst s6  }
0xf: {  	[smem:$0x3FB5] =	sst s7  }
0x10: {  	[smem:$0x3FB6] =	sst s8  }
0x11: {  	[smem:$0x3FB7] =	sst s9;
	s0 =	simm.s32 @!p0 $0x0  }
0x12: {  	s1 =	sld [smem:$0x3F9D];
	s0 =	simm.s32 @p0 $0x1  }
0x13: {  	[smem:$0x3FB8] =	sst s0;
	s0 =	simm.s32 @!p1 $0x0  }
0x14: {  	s2 =	sld [smem:$0x3F9C];
	s0 =	simm.s32 @p1 $0x1  }
0x15: {  	[smem:$0x3FB9] =	sst s0;
	s0 =	simm.s32 @!p2 $0x0  }
0x16: {  	s3 =	sld [smem:$0x3FDB];
	s0 =	simm.s32 @p2 $0x1  }
0x17: {  	s4 =	simm.s32 $0x1BF5;
	[smem:$0x3FBB] =	sst s0  }
0x18: {  	s0 =	sld [smem:$0x3F9E];
	_ =	swait.ge [sflag:s4], $0x0  }
0x19: {  	s7 =	sld [smem:$0x3F9F]  }
0x1a: {  	s8 =	sadd.s32 $0xFFFFE003, lr  }
0x1b: {  	s9 =	sadd.s32 $0xFFFFFEF7, lr;
	s5 =	simm.s32 $0xFFFFFFFF;
	p2 =	slt.u32 s8, $0xFFFFF086  }
0x1c: {  	p1 =	slt.u32 s9, $0xF7A;
	s5 =	simm.s32 @!p2 $0x0  }
0x1d: {  	s5 =	simm.s32 @p1 $0x1;
	p0 =	seq.s32 s7, s2  }
0x1e: {  	s7 =	smul.u32 @!p0 $0xF7A, s2;
	p2 =	seq.s32 @!p0 s5, $0x0  }
0x1f: {  	s9 =	smul.u32 $0xF7A, s1;
	s8 =	simm.s32 @!p0 $0x1BF5;
	p2 =	por !p2, p0  }
0x20: {  	[sflag:s8] =	ssyncset.s32 @!p0 $0xFFFFF086;
	s6 =	sadd.s32 @!p0 s3, s7;
	s7 =	simm.s32 @!p0 $0x108  }
0x21: {  	s3 =	sadd.s32 s3, s9;
	s6 =	sadd.s32 @!p0 $0x88, s6;
	s7 =	simm.s32 @p2 $0x1082  }
0x22: {  	[simem:s7], [sflag:s8] =	dma.local @!p0 [hbm:s6], $0xF7A  }
0x23: {  	s9 =	sor.u32 $0xD0000000, s2;
	s6 =	simm.s32 $0x108;
	_ =	swait.ge @!p0 [sflag:s8], $0x0  }
0x24: {  	s3 =	sadd.s32 $0x88, s3;
	s6 =	simm.s32 @!p1 $0x1082;
	[sflag:s4] =	ssyncset.s32 $0xFFFFF086  }
0x25: {  	[simem:s6], [sflag:s4] =	dma.local [hbm:s3], $0xF7A  }
0x26: {  	[smem:$0x3F9F] =	sst s1;
	(tag) =	ssettag s2;
	_ =	strace s9  }
0x27: {  	s1 =	sld [smem:$0x3FAF]  }
0x28: {  	s2 =	sld [smem:$0x3FB0]  }
0x29: {  	s4 =	sld [smem:$0x3FB2]  }
0x2a: {  	p0 =	seq.s32 s5, $0x0;
	s5 =	sld [smem:$0x3FB3]  }
0x2b: {  	s6 =	sld [smem:$0x3FB4]  }
0x2c: {  	s7 =	sld [smem:$0x3FB5]  }
0x2d: {  	s3 =	simm.s32 $0x108;
	s8 =	sld [smem:$0x3FB6]  }
0x2e: {  	s3 =	simm.s32 @!p0 $0x1082;
	s9 =	sld [smem:$0x3FB7]  }
0x2f: {  	lr =	sadd.s32 s0, s3;
	s0 =	sld [smem:$0x3FAE]  }
0x30: {  	s3 =	sld [smem:$0x3FB1]  }
0x31: {  	[smem:$0x3FBA] =	sst s10  }
0x32: {  	s10 =	sld [smem:$0x3FB8];
	_ =	sdelay $0x3  }
0x33: {  	p0 =	seq.s32 s10, $0x1;
	s10 =	sld [smem:$0x3FBA];
	_ =	sdelay $0x3  }
0x34: {  	[smem:$0x3FBA] =	sst s10  }
0x35: {  	s10 =	sld [smem:$0x3FB9];
	_ =	sdelay $0x3  }
0x36: {  	p1 =	seq.s32 s10, $0x1;
	s10 =	sld [smem:$0x3FBA];
	_ =	sdelay $0x3  }
0x37: {  	[smem:$0x3FBA] =	sst s10  }
0x38: {  	s10 =	sld [smem:$0x3FBB]  }
0x39: {  	_ = 	snop;
	(pc) =	sbr.ind lr, $3  }
0x3a: {  	_ = 	snop  }
0x3b: {  	_ = 	snop  }
0x3c: {  	p2 =	seq.s32 s10, $0x1;
	s10 =	sld [smem:$0x3FBA]  }
0x3d: {  	_ =	shalt  }
0x3e: {  	_ =	shalt  }
0x3f: {  	_ =	shalt  }
0x40: {  	_ =	shalt  }
0x41: {  	_ =	shalt  }
0x42: {  	_ =	shalt  }
0x43: {  	_ =	shalt  }
0x44: {  	_ =	shalt  }
0x45: {  	_ =	shalt  }
0x46: {  	_ =	shalt  }
0x47: {  	_ =	shalt  }
0x48: {  	_ =	shalt  }
0x49: {  	_ =	shalt  }
0x4a: {  	_ =	shalt  }
0x4b: {  	_ =	shalt  }
0x4c: {  	_ =	shalt  }
0x4d: {  	_ =	shalt  }
0x4e: {  	_ =	shalt  }
0x4f: {  	_ =	shalt  }
0x50: {  	_ =	shalt  }
0x51: {  	_ =	shalt  }
0x52: {  	_ =	shalt  }
0x53: {  	_ =	shalt  }
0x54: {  	_ =	shalt  }
0x55: {  	_ =	shalt  }
0x56: {  	_ =	shalt  }
0x57: {  	_ =	shalt  }
0x58: {  	_ =	shalt  }
0x59: {  	_ =	shalt  }
0x5a: {  	_ =	shalt  }
0x5b: {  	_ =	shalt  }
0x5c: {  	_ =	shalt  }
0x5d: {  	_ =	shalt  }
0x5e: {  	_ =	shalt  }
0x5f: {  	_ =	shalt  }
0x60: {  	_ =	shalt  }
0x61: {  	_ =	shalt  }
0x62: {  	_ =	shalt  }
0x63: {  	_ =	shalt  }
0x64: {  	_ =	shalt  }
0x65: {  	_ =	shalt  }
0x66: {  	_ =	shalt  }
0x67: {  	_ =	shalt  }
0x68: {  	_ =	shalt  }
0x69: {  	_ =	shalt  }
0x6a: {  	_ =	shalt  }
0x6b: {  	_ =	shalt  }
0x6c: {  	_ =	shalt  }
0x6d: {  	_ =	shalt  }
0x6e: {  	_ =	shalt  }
0x6f: {  	_ =	shalt  }
0x70: {  	_ =	shalt  }
0x71: {  	_ =	shalt  }
0x72: {  	_ =	shalt  }
0x73: {  	_ =	shalt  }
0x74: {  	_ =	shalt  }
0x75: {  	_ =	shalt  }
0x76: {  	_ =	shalt  }
0x77: {  	_ =	shalt  }
0x78: {  	_ =	shalt  }
0x79: {  	_ =	shalt  }
0x7a: {  	_ =	shalt  }
0x7b: {  	_ =	shalt  }
0x7c: {  	_ =	shalt  }
0x7d: {  	_ =	shalt  }
0x7e: {  	_ =	shalt  }
0x7f: {  	_ =	shalt  }
0x80: {  	_ =	shalt  }
0x81: {  	_ =	shalt  }
0x82: {  	_ =	shalt  }
0x83: {  	_ =	shalt  }
0x84: {  	_ =	shalt  }
0x85: {  	_ =	shalt  }
0x86: {  	_ =	shalt  }
0x87: {  	_ =	shalt  }
.Lfunc_end0:
.L_simem_size_0:
called_computation_lowered:
.L_overlay_start_0:
0x88: {  	s2 =	sld [smem:$0x3FD9]  }
0x89: {  	s3 =	sld [smem:$0x3FFE];
	_ =	sdelay $0x1  }
0x8a: {  	s1 =	srdreg.scid  }
0x8b: {  	s0 =	sand.u32 $0x1, s1  }
0x8c: {  	s17 =	sshll.u32 s0, $0xA;
	s2 =	sadd.s32 s3, s2  }
0x8d: {  	s2 =	sadd.s32 s2, s17  }
0x8e: {  	[smem:$0x3FC6] =	sst s2  }
0x8f: {  	_ = 	snop  }
0x90: {  	s2 =	sld [smem:$0x3FC8]  }
0x91: {  	s18 =	sld [smem:$0x3FD0];
	(tm) =	ssettm $0x1  }
0x92: {  	s4 =	sld [smem:$0x3FFB];
	_ =	sdelay $0x3  }
0x93: {  	_ =	strace s4  }
0x94: {  	s4 =	sld [smem:$0x3FFC];
	_ =	sdelay $0x3  }
0x95: {  	_ =	strace s4  }
0x96: {  	s4 =	sld [smem:$0x3FFD];
	_ =	sdelay $0x3  }
0x97: {  	_ =	strace s4  }
0x98: {  	_ =	strace $0x8FFFFFFF  }
0x99: {  	s19 =	sld [smem:$0x3FDB];
	_ =	sdelay $0x1  }
0x9a: {  	s5 =	simm.s32 $_scs_section_size  }
0x9b: {  	s6 =	simm.s32 $_size__tile_overlayer_lowered;
	s7 =	simm.s32 $_tile_overlayer_lowered  }
0x9c: {  	s22 =	simm.s32 $0x1BFF;
	s21 =	sshll.u32 s7, $0x1;
	s4 =	sadd.s32 s5, s19  }
0x9d: {  	s8 =	simm.s32 $0x0;
	s20 =	sshll.u32 s6, $0x1;
	s6 =	sadd.s32 s21, s4  }
0x9e: {  	[timem:s8], [sflag:s22] =	dma.local [hbm:s6], s20  }
0x9f: {  	_ =	swait.ge [sflag:s22], s20  }
0xa0: {  	s5 =	ssub.s32 $0x0, s20;
	[sflag:s22] =	ssyncset.done $0x0  }
0xa1: {  	[sflag:s22] =	ssyncadd.s32 s5;
	_ =	sdelay $0x1  }
0xa2: {  	s23 =	simm.s32 $0x1B8B  }
0xa3: {  	_ =	swait.ge [sflag:s23], $0x1  }
0xa4: {  	[sflag:s23] =	ssyncset.done $0x0  }
0xa5: {  	s25 =	simm.s32 $0x1B8E;
	s24 =	sld [smem:$0x3FFE];
	[sflag:s23] =	ssyncadd.s32 $0xFFFFFFFF  }
0xa6: {  	s26 =	simm.s32 $execute0_lowered;
	[smem:$0x3FD2] =	sst s25  }
0xa7: {  	s6 =	sshll.u32 s26, $0x1;
	_ =	strace $0x80000046;
	[dreg:$0x1] =	wrdreg $0xFFFFFFFF  }
0xa8: {  	s28 =	simm.s32 $_size_execute0_lowered;
	s4 =	sadd.s32 s4, s6;
	[dreg:$0x0] =	wrdreg $0x0  }
0xa9: {  	s6 =	sshll.u32 s28, $0x1;
	[dreg:$0x2] =	wrdreg s4  }
0xaa: {  	[dreg:$0x3] =	wrdreg s6  }
0xab: {  	[dreg:$0x4] =	wrdreg $0xC0  }
0xac: {  	_ =	task [dreg:s8], $0x5FFFF  }
0xad: {  	[dreg:$0x1] =	wrdreg $0xFFFFFFFF  }
0xae: {  	[dreg:$0x0] =	wrdreg $0x60  }
0xaf: {  	[dreg:$0x2] =	wrdreg s24  }
0xb0: {  	[dreg:$0x3] =	wrdreg s2  }
0xb1: {  	[dreg:$0x4] =	wrdreg s18  }
0xb2: {  	[dreg:$0x5] =	wrdreg $0x1C000  }
0xb3: {  	[dreg:$0x6] =	wrdreg $0x9  }
0xb4: {  	_ =	task.clear_ibuf [dreg:s8], $0x7FFFF;
	_ =	strace $0x90000046  }
0xb5: {  	s29 =	simm.s32 $0x9;
	_ =	strace $0x80000048  }
0xb6: {  	_ =	swait.ge [sflag:s29], $0x1  }
0xb7: {  	[sflag:s29] =	ssyncadd.s32 $0xFFFFFFFF  }
0xb8: {  	_ =	strace $0x90000048  }
0xb9: {  	_ =	sfence  }
0xba: {  	s30 =	sld [smem:$0x0];
	_ =	sdelay $0x2  }
0xbb: {  	s31 =	sshll.u32 s1, $0xD;
	s1 =	sshrl.u32 s1, $0x2  }
0xbc: {  	s3 =	sand.u32 $0x4000, s31;
	s1 =	sadd.s32 s1, s30  }
0xbd: {  	s0 =	sor.u32 s3, s0;
	s1 =	sshll.u32 s1, $0x11  }
0xbe: {  	s0 =	sor.u32 s1, s0  }
0xbf: {  	s0 =	sadd.s32 $0x8F2B, s0  }
0xc0: {  	[sflag:s0] =	ssyncadd.remote.s32 $0x1  }
0xc1: {  	_ =	sfence.sel $0xFFFF  }
0xc2: {  	[dreg:$0x0] =	wrdreg $0xFFFFFFFF;
	(pc) =	sbr.abs _section_cstart, $3  }
0xc3: {  	[dreg:$0x1] =	wrdreg $0xFFFFFFFF  }
0xc4: {  	_ =	task.clear_ibuf [dreg:s8], $0x2FFFF;
	_ =	strace $0x9FFFFFFF  }
0xc5: {  	(tm) =	ssettm $0x7FFFFFFF  }
tec
execute0_lowered:
.L_overlay_start_1:
0x0: {  	(tag) =	ssettag $0x1  }
0x1: {  	s1 =	rddreg [dreg:$0x0]  }
0x2: {  	s0 =	rddreg [dreg:$0x1]  }
0x3: {  	s4 =	rddreg [dreg:$0x2]  }
0x4: {  	s3 =	srdreg.scid;
	s5 =	stileid.u32  }
0x5: {  	s2 =	rddreg [dreg:$0x3];
	s15 =	simm.s32 $0x2880;
	s16 =	simm.s32 $0x6880  }
0x6: {  	s17 =	simm.s32 $0xA880;
	s28 =	simm.s32 $0x2;
	s29 =	simm.s32 $0xF  }
0x7: {  	s30 =	simm.s32 $0x3;
	s31 =	simm.s32 $0x4;
	s6 =	sand.u32 $0x1, s3  }
0x8: {  	s7 =	sshll.u32 s5, $0x1;
	s3 =	simm.s32 $0x0;
	s10 =	smul.u32 $0x190000, s5  }
0x9: {  	s20 =	sadd.s32 $0x4000, s2;
	s21 =	sadd.s32 $0x1C00, s2;
	s22 =	sadd.s32 $0x5C00, s2  }
0xa: {  	s23 =	smul.u32 $0x32000, s5;
	p0 =	sne.s32 s5, $0x0;
	s7 =	sor.u32 s6, s7  }
0xb: {  	[smem:$0x7FF] =	sst s3;
	s8 =	ssub.s32 $0x2, s6;
	s19 =	smul.u32 $0xC8000, s6  }
0xc: {  	s24 =	smul.u32 $0x19000, s6;
	_ =	strace $0x80000047;
	[dreg:$0x7] =	wrdreg s20  }
0xd: {  	s7 =	smul.u32 $0x380, s7;
	s9 =	sshrl.u32 s8, $0x1;
	[dreg:$0x8] =	wrdreg s21  }
0xe: {  	[dreg:$0x9] =	wrdreg s22;
	s20 =	simm.s32 $0x80;
	s22 =	simm.s32 $0xD  }
0xf: {  	s18 =	ssub.s32 s8, s9;
	s8 =	sadd.s32 s19, s10;
	s7 =	sadd.s32 s7, s1  }
0x10: {  	s1 =	sadd.s32 $0x600, s1;
	s25 =	sadd.s32 $0xC000, s8;
	s8 =	sadd.s32 $0x10000, s8  }
0x11: {  	[dreg:$0x5] =	wrdreg s1;
	s7 =	sadd.s32 $0x2000, s7;
	s1 =	smax.u32 s18, $0x1  }
0x12: {  	s6 =	sshrl.u32 s25, $0x3;
	s26 =	sshrl.u32 s8, $0x3;
	s18 =	simm.s32 $0xE880  }
.Ltmp0:
0x13: {  	s25 =	simm.s32 $0x12880;
	[dreg:$0x6] =	wrdreg s7;
	(pc) =	sbr.rel .LBB2_1-.Ltmp0, $4  }
0x14: {  	s8 =	simm.s32 $0x0;
	[dreg:$0xa] =	wrdreg s1;
	s7 =	sadd.s32 s23, s4  }
0x15: {  	s11 =	sadd.s32 s6, s4;
	s12 =	sadd.s32 s26, s4;
	s1 =	sshrl.u32 @!p0 s2, $0x3  }
0x16: {  	s26 =	simm.s32 $0xE;
	s6 =	simm.s32 $0x9;
	s10 =	sadd.s32 s24, s7  }
0x17: {  	[dreg:$0xb] =	wrdreg s1;
	s24 =	simm.s32 $0x1;
	s1 =	simm.s32 $0x5  }
.LBB2_4:
0x18: {  	s4 =	simm.s32 $0x6  }
0x19: {  	_ =	swait.ge [sflag:s4], $0x4000  }
0x1a: {  	[sflag:s4] =	ssyncset.done $0x0  }
0x1b: {  	s19 =	simm.s32 $0x7;
	[sflag:s4] =	ssyncadd.s32 $0xFFFFC000  }
0x1c: {  	_ =	swait.ge [sflag:s19], $0x4000  }
0x1d: {  	[sflag:s19] =	ssyncset.done $0x0  }
0x1e: {  	s21 =	simm.s32 $0x8;
	[sflag:s19] =	ssyncadd.s32 $0xFFFFC000  }
0x1f: {  	_ =	swait.ge [sflag:s21], $0x4000  }
0x20: {  	[sflag:s21] =	ssyncset.done $0x0  }
0x21: {  	[sflag:s21] =	ssyncadd.s32 $0xFFFFC000  }
0x22: {  	_ =	swait.ge [sflag:s6], $0x4000  }
0x23: {  	[sflag:s6] =	ssyncset.done $0x0  }
0x24: {  	s5 =	simm.s32 $0xA;
	[sflag:s6] =	ssyncadd.s32 $0xFFFFC000  }
0x25: {  	_ =	swait.ge [sflag:s5], $0x4000  }
0x26: {  	s8 =	sadd.s32 $0x1, s8;
	s23 =	rddreg [dreg:$0xa]  }
0x27: {  	p1 =	sne.s32 s8, s23  }
.Ltmp1:
0x28: {  	_ = 	snop;
	(pc) =	sbr.rel @!p1 .LBB2_5-.Ltmp1, $3  }
0x29: {  	_ =	sdelay $0x1  }
0x2a: {  	[sflag:s5] =	ssyncset.done $0x0  }
0x2b: {  	[sflag:s5] =	ssyncadd.s32 $0xFFFFC000  }
.LBB2_1:
0x2c: {  	s4 =	rddreg [dreg:$0x6];
	s7 =	simm.s32 $0x10  }
0x2d: {  	[tilespmem:s3], [sflag:$0x10] =	stream.linear.gather [hbm4b:s4+s3], $0x1900, $0x38;
	[tilespmem:$0x16880] =	vst v63  }
0x2e: {  	_ =	swait.ge [sflag:s7], $0x1900  }
0x2f: {  	[sflag:s7] =	ssyncset.done $0x0;
	s4 =	rddreg [dreg:$0x5]  }
0x30: {  	s9 =	simm.s32 @!p0 $0x1C10;
	s5 =	rddreg [dreg:$0xb];
	[sflag:s7] =	ssyncadd.s32 $0xFFFFE700  }
0x31: {  	[spmem:s5], [sflag:s9] =	dma.local @!p0 [hbm:s4], $0x1900  }
0x32: {  	s9 =	simm.s32 @!p0 $0x10  }
0x33: {  	_ =	swait.ge @!p0 [sflag:s9], $0x1900  }
0x34: {  	[sflag:s9] =	ssyncset.done @!p0 $0x0  }
0x35: {  	[sflag:s9] =	ssyncadd.s32 @!p0 $0xFFFFE700  }
0x36: {  	[bflag:$0x0] =	sbarrier.arrive $0xFFFF  }
0x37: {  	[tilespmem:s15], [sflag:$0xB] =	stream.linear.gather [spmem:s2], $0x4000, $0x38;
	[tilespmem:$0x16880] =	vst v63  }
0x38: {  	s9 =	rddreg [dreg:$0x7]  }
0x39: {  	[tilespmem:s16], [sflag:$0xC] =	stream.linear.gather [spmem:s9], $0x4000, $0x38;
	[tilespmem:$0x16880] =	vst v63  }
0x3a: {  	s13 =	rddreg [dreg:$0x8]  }
0x3b: {  	[tilespmem:s17], [sflag:$0xD] =	stream.linear.gather [spmem:s13], $0x4000, $0x38;
	[tilespmem:$0x16880] =	vst v63  }
0x3c: {  	s19 =	simm.s32 $0xB;
	s14 =	rddreg [dreg:$0x9]  }
0x3d: {  	[tilespmem:s18], [sflag:$0xE] =	stream.linear.gather [spmem:s14], $0x4000, $0x38;
	[tilespmem:$0x16880] =	vst v63  }
0x3e: {  	_ =	swait.ge [sflag:s19], $0x4000  }
0x3f: {  	[sflag:s19] =	ssyncset.done $0x0  }
0x40: {  	s21 =	simm.s32 $0xC;
	[sflag:s19] =	ssyncadd.s32 $0xFFFFC000  }
0x41: {  	[tilespmem:s15], [sflag:$0x1] =	stream.indirect.gather.add.f32 [hbm:s0], $0x80, s3, s20, $0xb8;
	[tilespmem:$0x16880] =	vst v63  }
0x42: {  	_ =	swait.ge [sflag:s21], $0x4000  }
0x43: {  	[sflag:s21] =	ssyncset.done $0x0  }
0x44: {  	[sflag:s21] =	ssyncadd.s32 $0xFFFFC000  }
0x45: {  	[tilespmem:s16], [sflag:$0x2] =	stream.indirect.gather.add.f32 [hbm:s0], $0x80, s20, s20, $0xb8;
	[tilespmem:$0x16880] =	vst v63  }
0x46: {  	s23 =	simm.s32 $0x100;
	_ =	swait.ge [sflag:s22], $0x4000  }
0x47: {  	s9 =	simm.s32 $0x380;
	s13 =	simm.s32 $0x0;
	[sflag:s22] =	ssyncset.done $0x0  }
0x48: {  	s14 =	simm.s32 $0x7;
	s19 =	simm.s32 $0x0;
	[sflag:s22] =	ssyncadd.s32 $0xFFFFC000  }
0x49: {  	[tilespmem:s17], [sflag:$0x3] =	stream.indirect.gather.add.f32 [hbm:s0], $0x80, s23, s20, $0xb8;
	[tilespmem:$0x16880] =	vst v63  }
.LBB2_2:
0x4a: {  	s21 =	sadd.s32 $0xFFFFFFFD, s14  }
0x4b: {  	_ =	swait.ge [sflag:s24], $0x4000;
	s21 =	sshll.u32 s21, $0x7  }
0x4c: {  	[sflag:s24] =	ssyncset.done $0x0;
	s23 =	sand.u32 $0xFF80, s21  }
0x4d: {  	s4 =	sadd.s32 s19, s10;
	[sflag:s24] =	ssyncadd.s32 $0xFFFFC000;
	s23 =	smul.u32 $0x147B, s23  }
0x4e: {  	[hbm4b:s4+s3] =	stream.linear.scatter [tilespmem:s15], [sflag:$0x6], $0x4000, $0x38;
	[tilespmem:$0x16880] =	vst v63  }
0x4f: {  	p1 =	seq.s32 s19, $0x0;
	s23 =	sshrl.u32 s23, $0x14  }
0x50: {  	s5 =	simm.s32 @!p1 $0xA;
	s23 =	smul.u32 $0xC8, s23  }
0x51: {  	_ =	swait.ge @!p1 [sflag:s5], $0x4000  }
0x52: {  	[sflag:s5] =	ssyncset.done @!p1 $0x0;
	s21 =	ssub.s32 s21, s23  }
0x53: {  	[sflag:s5] =	ssyncadd.s32 @!p1 $0xFFFFC000;
	s21 =	sand.u32 $0xFFF8, s21  }
0x54: {  	s5 =	sadd.s32 $0xFFFFFFFE, s14;
	p1 =	seq.s32 s19, $0x16800;
	s21 =	sshll.u32 s21, $0x7  }
0x55: {  	s5 =	sshll.u32 @!p1 s5, $0x7;
	s21 =	sadd.s32 s21, s2  }
0x56: {  	[tilespmem:s25], [sflag:$0xF] =	stream.linear.gather [spmem:s21], $0x4000, $0x38;
	[tilespmem:$0x16880] =	vst v63  }
0x57: {  	s21 =	sand.u32 @!p1 $0xFF80, s5  }
0x58: {  	_ =	swait.ge [sflag:s26], $0x4000;
	s21 =	smul.u32 @!p1 $0x147B, s21  }
0x59: {  	[sflag:s26] =	ssyncset.done $0x0  }
0x5a: {  	s23 =	sadd.s32 $0xFFFFFE00, s9;
	[sflag:s26] =	ssyncadd.s32 $0xFFFFC000;
	s21 =	sshrl.u32 @!p1 s21, $0x14  }
0x5b: {  	[tilespmem:s18], [sflag:$0x4] =	stream.indirect.gather.add.f32 [hbm:s0], $0x80, s23, s20, $0xb8;
	[tilespmem:$0x16880] =	vst v63  }
0x5c: {  	s21 =	smul.u32 @!p1 $0xC8, s21;
	_ =	swait.ge [sflag:s28], $0x4000  }
0x5d: {  	s7 =	sadd.s32 $0x800, s4;
	[sflag:s28] =	ssyncset.done $0x0  }
0x5e: {  	s23 =	simm.s32 @!p1 $0x6;
	s5 =	ssub.s32 @!p1 s5, s21;
	[sflag:s28] =	ssyncadd.s32 $0xFFFFC000  }
0x5f: {  	[hbm4b:s7+s3] =	stream.linear.scatter [tilespmem:s16], [sflag:$0x7], $0x4000, $0x38;
	[tilespmem:$0x16880] =	vst v63  }
0x60: {  	s5 =	sand.u32 @!p1 $0xFFF8, s5;
	_ =	swait.ge @!p1 [sflag:s23], $0x4000  }
0x61: {  	s5 =	sshll.u32 @!p1 s5, $0x7;
	[sflag:s23] =	ssyncset.done @!p1 $0x0  }
0x62: {  	s21 =	simm.s32 @!p1 $0x2880;
	s5 =	sadd.s32 @!p1 s5, s2;
	[sflag:s23] =	ssyncadd.s32 @!p1 $0xFFFFC000  }
0x63: {  	[tilespmem:s21], [sflag:$0xB] =	stream.linear.gather @!p1 [spmem:s5], $0x4000, $0x38;
	[tilespmem:$0x16880] =	vst v63  }
0x64: {  	s5 =	sadd.s32 $0xFFFFFFFF, s14  }
0x65: {  	_ =	swait.ge [sflag:s29], $0x4000;
	s5 =	sshll.u32 @!p1 s5, $0x7  }
0x66: {  	[sflag:s29] =	ssyncset.done $0x0;
	s23 =	sand.u32 @!p1 $0xFF80, s5  }
0x67: {  	s7 =	sadd.s32 $0xFFFFFE80, s9;
	[sflag:s29] =	ssyncadd.s32 $0xFFFFC000;
	s23 =	smul.u32 @!p1 $0x147B, s23  }
0x68: {  	[tilespmem:s25], [sflag:$0x5] =	stream.indirect.gather.add.f32 [hbm:s0], $0x80, s7, s20, $0xb8;
	[tilespmem:$0x16880] =	vst v63  }
0x69: {  	_ =	swait.ge [sflag:s30], $0x4000  }
0x6a: {  	s23 =	sshrl.u32 @!p1 s23, $0x14;
	[sflag:s30] =	ssyncset.done $0x0  }
0x6b: {  	s4 =	sadd.s32 $0x1000, s4;
	s23 =	smul.u32 @!p1 $0xC8, s23;
	[sflag:s30] =	ssyncadd.s32 $0xFFFFC000  }
0x6c: {  	[hbm4b:s4+s3] =	stream.linear.scatter [tilespmem:s17], [sflag:$0x8], $0x4000, $0x38;
	[tilespmem:$0x16880] =	vst v63  }
0x6d: {  	s4 =	simm.s32 @!p1 $0x7;
	s5 =	ssub.s32 @!p1 s5, s23  }
0x6e: {  	_ =	swait.ge @!p1 [sflag:s4], $0x4000;
	s5 =	sand.u32 @!p1 $0xFFF8, s5  }
0x6f: {  	[sflag:s4] =	ssyncset.done @!p1 $0x0;
	s5 =	sshll.u32 @!p1 s5, $0x7  }
0x70: {  	[sflag:s4] =	ssyncadd.s32 @!p1 $0xFFFFC000;
	s4 =	sadd.s32 @!p1 s5, s2;
	s5 =	simm.s32 @!p1 $0x6880  }
0x71: {  	[tilespmem:s5], [sflag:$0xC] =	stream.linear.gather @!p1 [spmem:s4], $0x4000, $0x38;
	[tilespmem:$0x16880] =	vst v63  }
0x72: {  	s4 =	simm.s32 @!p1 $0xB  }
0x73: {  	_ =	swait.ge @!p1 [sflag:s4], $0x4000  }
0x74: {  	[sflag:s4] =	ssyncset.done @!p1 $0x0  }
0x75: {  	s23 =	simm.s32 @!p1 $0x80;
	[sflag:s4] =	ssyncadd.s32 @!p1 $0xFFFFC000;
	s4 =	sadd.s32 @!p1 $0xFFFFFF00, s9  }
0x76: {  	[tilespmem:s21], [sflag:$0x1] =	stream.indirect.gather.add.f32 @!p1 [hbm:s0], $0x80, s4, s23, $0xb8;
	[tilespmem:$0x16880] =	vst v63  }
0x77: {  	s4 =	sshll.u32 @!p1 s14, $0x7  }
0x78: {  	s21 =	sand.u32 @!p1 $0xFF80, s4  }
0x79: {  	s21 =	smul.u32 @!p1 $0x147B, s21  }
0x7a: {  	_ =	swait.ge [sflag:s31], $0x4000  }
0x7b: {  	[sflag:s31] =	ssyncset.done $0x0;
	s21 =	sshrl.u32 @!p1 s21, $0x14  }
0x7c: {  	s7 =	sadd.s32 s19, s11;
	[sflag:s31] =	ssyncadd.s32 $0xFFFFC000;
	s21 =	smul.u32 @!p1 $0xC8, s21  }
0x7d: {  	[hbm4b:s7+s3] =	stream.linear.scatter [tilespmem:s18], [sflag:$0x9], $0x4000, $0x38;
	[tilespmem:$0x16880] =	vst v63  }
0x7e: {  	s7 =	simm.s32 @!p1 $0x8;
	s4 =	ssub.s32 @!p1 s4, s21  }
0x7f: {  	_ =	swait.ge @!p1 [sflag:s7], $0x4000;
	s4 =	sand.u32 @!p1 $0xFFF8, s4  }
0x80: {  	[sflag:s7] =	ssyncset.done @!p1 $0x0;
	s4 =	sshll.u32 @!p1 s4, $0x7  }
0x81: {  	[sflag:s7] =	ssyncadd.s32 @!p1 $0xFFFFC000;
	s7 =	simm.s32 @!p1 $0xA880;
	s4 =	sadd.s32 @!p1 s4, s2  }
0x82: {  	[tilespmem:s7], [sflag:$0xD] =	stream.linear.gather @!p1 [spmem:s4], $0x4000, $0x38;
	[tilespmem:$0x16880] =	vst v63  }
0x83: {  	s4 =	simm.s32 @!p1 $0xC  }
0x84: {  	_ =	swait.ge @!p1 [sflag:s4], $0x4000  }
0x85: {  	[sflag:s4] =	ssyncset.done @!p1 $0x0  }
0x86: {  	[sflag:s4] =	ssyncadd.s32 @!p1 $0xFFFFC000;
	s4 =	sadd.s32 @!p1 $0xFFFFFF80, s9  }
0x87: {  	[tilespmem:s5], [sflag:$0x2] =	stream.indirect.gather.add.f32 @!p1 [hbm:s0], $0x80, s4, s23, $0xb8;
	[tilespmem:$0x16880] =	vst v63  }
.Ltmp2:
0x88: {  	_ = 	snop;
	(pc) =	sbr.rel @p1 .LBB2_4-.Ltmp2, $4  }
0x89: {  	_ =	swait.ge [sflag:s1], $0x4000  }
0x8a: {  	[sflag:s1] =	ssyncset.done $0x0  }
0x8b: {  	s23 =	sadd.s32 s19, s12;
	[sflag:s1] =	ssyncadd.s32 $0xFFFFC000  }
0x8c: {  	[hbm4b:s23+s3] =	stream.linear.scatter [tilespmem:s25], [sflag:$0xA], $0x4000, $0x38;
	[tilespmem:$0x16880] =	vst v63  }
0x8d: {  	s4 =	sadd.s32 $0x400, s13  }
0x8e: {  	s5 =	sand.u32 $0xFFF8, s4  }
0x8f: {  	s5 =	sshrl.u32 s5, $0x3  }
0x90: {  	s5 =	smul.u32 $0x147B, s5;
	_ =	sdelay $0x1  }
0x91: {  	s5 =	sshrl.u32 s5, $0x11  }
0x92: {  	s5 =	smul.u32 $0xC8, s5;
	_ =	sdelay $0x1  }
0x93: {  	s4 =	ssub.s32 s4, s5  }
0x94: {  	_ =	swait.ge [sflag:s6], $0x4000;
	s4 =	sand.u32 $0xFFFF, s4  }
0x95: {  	[sflag:s6] =	ssyncset.done $0x0;
	s4 =	sshll.u32 s4, $0x7  }
0x96: {  	[sflag:s6] =	ssyncadd.s32 $0xFFFFC000;
	s4 =	sadd.s32 s4, s2  }
0x97: {  	[tilespmem:s18], [sflag:$0xE] =	stream.linear.gather [spmem:s4], $0x4000, $0x38;
	[tilespmem:$0x16880] =	vst v63  }
.Ltmp3:
0x98: {  	_ =	swait.ge [sflag:s22], $0x4000;
	(pc) =	sbr.rel .LBB2_2-.Ltmp3, $4  }
0x99: {  	[sflag:s22] =	ssyncset.done $0x0  }
0x9a: {  	s19 =	sadd.s32 $0x2800, s19;
	[sflag:s22] =	ssyncadd.s32 $0xFFFFC000  }
0x9b: {  	[tilespmem:s17], [sflag:$0x3] =	stream.indirect.gather.add.f32 [hbm:s0], $0x80, s9, s20, $0xb8;
	[tilespmem:$0x16880] =	vst v63  }
0x9c: {  	s13 =	sadd.s32 $0x280, s13;
	s14 =	sadd.s32 $0x5, s14;
	s9 =	sadd.s32 $0x280, s9  }
.LBB2_5:
0x9d: {  	_ =	sfence.sel $0x180000  }
0x9e: {  	[bflag:$0x0] =	sbarrier.arrive $0xFFFF  }
0x9f: {  	_ =	strace $0x90000047  }
0xa0: {  	[bflag:$0x2] =	sbarrier.arrive $0xFFFF  }
0xa1: {  	s0 =	rddreg [dreg:$0x4]  }
0xa2: {  	s0 =	sadd.s32 @!p0 $0x100000, s0  }
0xa3: {  	[sflag:s0] =	ssyncadd.tile.s32 @!p0 $0x1;
	_ =	shalt  }
.Lfunc_end2:
_tile_overlayer_lowered:
.L_overlay_start_2:
0xa4: {  	(tag) =	ssettag $0x2  }
0xa5: {  	s0 =	rddreg [dreg:$0x0];
	s2 =	stileid.u32  }
0xa6: {  	s1 =	rddreg [dreg:$0x1];
	p0 =	sne.s32 s2, $0x0  }
0xa7: {  	s3 =	rddreg [dreg:$0x2];
	[bflag:$0x3] =	sbarrier.arrive $0xFFFF;
	s2 =	simm.s32 @!p0 $0x1C10  }
0xa8: {  	[timem:s3], [sflag:s2] =	dma.local @!p0 [hbm:s0], s1  }
0xa9: {  	s0 =	simm.s32 @!p0 $0x10  }
0xaa: {  	_ =	swait.ge @!p0 [sflag:s0], s1  }
0xab: {  	s1 =	ssub.s32 @!p0 $0x0, s1;
	[sflag:s0] =	ssyncset.done @!p0 $0x0  }
0xac: {  	[sflag:s0] =	ssyncadd.s32 @!p0 s1  }
0xad: {  	[bflag:$0x3] =	sbarrier.arrive $0xFFFF  }
0xae: {  	_ =	shalt  }

</sc_bundles>
